<compile_context>
chip_gen: v7x
topology: tpu7x:2x2x1
jax: 0.10.2.dev20260603
libtpu: 0.0.44.dev20260713+nightly
codegen_flags: <defaults>
</compile_context>

<pallas_src>
import functools

import jax
import jax.numpy as jnp
from jax import lax
from jax.experimental import pallas as pl
from jax.experimental.pallas import tpu as pltpu
from jax.experimental.pallas import tpu_sc as plsc

_B = 2
_S = 4096
_D = 1024
_T_SEQ = 1536

_INFO = plsc.get_sparse_core_info()
_NC, _NS = _INFO.num_cores, _INFO.num_subcores
_NW = _NC * _NS
_T_PER_W = 96
_L = 16
_NBUF = 3
_ORDER = (3, 0, 5, 1, 7, 2, 6, 8, 4)
_NJOB = len(_ORDER)


def _pos_shift(t):
    s = jnp.where(t >= 100, 512, 0)
    s = s + jnp.where(t >= 488, 1024, 0)
    return s + jnp.where(t >= 964, 1024, 0)


def _merge_body(table, ids, audio, image, video, out,
                tpos_v, tid_v, tidx, aidx, vidx, bufs, isems, osems, csem):
    wid = lax.axis_index("s") * _NC + lax.axis_index("c")
    b_w = jnp.where(wid >= _NW // 2, 1, 0)
    t0 = wid * _T_PER_W - b_w * _T_SEQ

    lane = lax.iota(jnp.int32, _L)

    for h in range(_T_PER_W // _L):
        t = t0 + h * _L + lane
        pos = b_w * _S + t + _pos_shift(t)
        tidx[h // 2][pl.ds((h % 2) * _L, _L)] = pos
        tpos_v[pl.ds(h * _L, _L)] = pos
    tid_cp = pltpu.async_copy(ids.at[tpos_v], tid_v, csem)

    for b in range(_B):
        aidx[b][pl.ds(0, _L)] = b * _S + 100 + wid * 16 + lane
        for c in range(2):
            vidx[b][pl.ds(c * _L, _L)] = b * _S + 2500 + wid * 32 + c * _L + lane

    def start_in(j, buf, sem):
        if j < 3:
            src = table.at[tid_v.at[pl.ds(j * 32, 32)]]
        elif j < 5:
            src = audio.at[pl.ds((j - 3) * 512 + wid * 16, 16)]
            buf = buf.at[pl.ds(0, 16)]
        elif j < 7:
            src = image.at[pl.ds((j - 5) * 1024 + wid * 32, 32)]
        else:
            src = video.at[pl.ds((j - 7) * 1024 + wid * 32, 32)]
        return pltpu.async_copy(src, buf, sem)

    def start_out(j, buf, sem):
        if j < 3:
            dst = out.at[tidx[j]]
        elif j < 5:
            dst = out.at[aidx[j - 3]]
            buf = buf.at[pl.ds(0, 16)]
        elif j < 7:
            dst = out.at[pl.ds((j - 5) * _S + 1000 + wid * 32, 32)]
        else:
            dst = out.at[vidx[j - 7]]
        return pltpu.async_copy(buf, dst, sem)

    ins = [None] * _NJOB
    outs = [None] * _NJOB
    ins[0] = start_in(_ORDER[0], bufs[0], isems[0])
    for k in range(_NJOB):
        nxt = k + 1
        if nxt < _NJOB:
            if nxt >= _NBUF:
                outs[nxt - _NBUF].wait()
            if _ORDER[nxt] == 0:
                tid_cp.wait()
            ins[nxt] = start_in(_ORDER[nxt], bufs[nxt % _NBUF],
                                isems[nxt % _NBUF])
        ins[k].wait()
        outs[k] = start_out(_ORDER[k], bufs[k % _NBUF], osems[k % _NBUF])
    for k in range(_NJOB - _NBUF, _NJOB):
        outs[k].wait()


def kernel(embed_table, audio_embeds, image_embeds, video_embeds, input_ids):
    D = embed_table.shape[1]
    mesh = plsc.VectorSubcoreMesh(core_axis_name="c", subcore_axis_name="s")
    run = functools.partial(
        pl.kernel,
        mesh=mesh,
        out_type=jax.ShapeDtypeStruct((_B * _S, D), jnp.float32),
        scratch_types=[
            pltpu.VMEM((_T_PER_W,), jnp.int32),
            pltpu.VMEM((_T_PER_W,), jnp.int32),
            [pltpu.VMEM((32,), jnp.int32) for _ in range(3)],
            [pltpu.VMEM((16,), jnp.int32) for _ in range(2)],
            [pltpu.VMEM((32,), jnp.int32) for _ in range(2)],
            [pltpu.VMEM((32, D), jnp.float32) for _ in range(_NBUF)],
            [pltpu.SemaphoreType.DMA for _ in range(_NBUF)],
            [pltpu.SemaphoreType.DMA for _ in range(_NBUF)],
            pltpu.SemaphoreType.DMA,
        ],
    )(_merge_body)
    out = run(embed_table, input_ids.astype(jnp.int32).reshape(-1),
              audio_embeds, image_embeds, video_embeds)
    return out.reshape(_B, _S, D)

# --- scband reference (transcript-rebuilt; emitter-appended) ---
"""Pipeline reference for scband-qwen3-omni-split-thinker-73212012527992 (READ-ONLY COPY).

The authoritative reference and input builder live on the scoring server;
editing this copy changes nothing except your own understanding.
"""

import jax, jax.numpy as jnp
import numpy as np

B = 2
S = 4096
D = 1024
VOCAB = 100000
AUDIO_ID = 99997
IMAGE_ID = 99998
VIDEO_ID = 99999
N_AUDIO = B * 512
N_IMAGE = B * 1024
N_VIDEO = B * 1024


def setup_inputs(seed: int = 0) -> dict:
    key = jax.random.key(seed)
    k1, k2, k3, k4, k5 = jax.random.split(key, 5)
    # random text tokens, then carve out fixed placeholder spans per sequence
    input_ids = jax.random.randint(k1, (B, S), 0, 99000, dtype=jnp.int64)
    input_ids = input_ids.at[:, 100:612].set(AUDIO_ID)   # 512 audio placeholders per row
    input_ids = input_ids.at[:, 1000:2024].set(IMAGE_ID)  # 1024 image placeholders per row
    input_ids = input_ids.at[:, 2500:3524].set(VIDEO_ID)  # 1024 video placeholders per row
    embed_table = jax.random.normal(k2, (VOCAB, D), dtype=jnp.float32) * 0.02
    audio_embeds = jax.random.normal(k3, (N_AUDIO, D), dtype=jnp.float32)
    image_embeds = jax.random.normal(k4, (N_IMAGE, D), dtype=jnp.float32)
    video_embeds = jax.random.normal(k5, (N_VIDEO, D), dtype=jnp.float32)
    return {
        "embed_table": embed_table,
        "audio_embeds": audio_embeds,
        "image_embeds": image_embeds,
        "video_embeds": video_embeds,
        "input_ids": input_ids,
    }


def reference(embed_table, audio_embeds, image_embeds, video_embeds, input_ids):
    # Qwen3OmniSplitThinker._merge_embeddings:
    #   inputs_embeds = embed_tokens(input_ids)
    #   inputs_embeds = inputs_embeds.masked_scatter(audio_mask, audio_embeds)
    #   inputs_embeds = inputs_embeds.masked_scatter(image_mask, image_embeds)
    #   inputs_embeds = inputs_embeds.masked_scatter(video_mask, video_embeds)
    ids = input_ids.reshape(-1)
    x = jnp.take(embed_table, ids, axis=0)  # gather: [B*S, D]
    # masked_scatter fills True positions in row-major order with consecutive rows
    apos = jnp.nonzero(ids == AUDIO_ID, size=N_AUDIO)[0]
    x = x.at[apos].set(audio_embeds.astype(x.dtype))
    ipos = jnp.nonzero(ids == IMAGE_ID, size=N_IMAGE)[0]
    x = x.at[ipos].set(image_embeds.astype(x.dtype))
    vpos = jnp.nonzero(ids == VIDEO_ID, size=N_VIDEO)[0]
    x = x.at[vpos].set(video_embeds.astype(x.dtype))
    return x.reshape(B, S, embed_table.shape[1])

if __name__ == "__main__":
    import jax
    _d = setup_inputs()
    print(jax.jit(kernel)(*tuple(_d.values())))

</pallas_src>

<mosaic_0001>
#map = affine_map<(d0, d1) -> (0, 0)>
#map1 = affine_map<(d0, d1) -> (0)>
module attributes {stable_mosaic.version = 14 : i64} {
  func.func @_merge_body(%arg0: i32, %arg1: i32, %arg2: memref<100000x1024xf32, #tpu.memory_space<hbm>>, %arg3: memref<8192xi32, #tpu.memory_space<hbm>>, %arg4: memref<1024x1024xf32, #tpu.memory_space<hbm>>, %arg5: memref<2048x1024xf32, #tpu.memory_space<hbm>>, %arg6: memref<2048x1024xf32, #tpu.memory_space<hbm>>, %arg7: memref<8192x1024xf32, #tpu.memory_space<hbm>>, %arg8: memref<96xi32, #tpu.memory_space<vmem>>, %arg9: memref<96xi32, #tpu.memory_space<vmem>>, %arg10: memref<32xi32, #tpu.memory_space<vmem>>, %arg11: memref<32xi32, #tpu.memory_space<vmem>>, %arg12: memref<32xi32, #tpu.memory_space<vmem>>, %arg13: memref<16xi32, #tpu.memory_space<vmem>>, %arg14: memref<16xi32, #tpu.memory_space<vmem>>, %arg15: memref<32xi32, #tpu.memory_space<vmem>>, %arg16: memref<32xi32, #tpu.memory_space<vmem>>, %arg17: memref<32x1024xf32, #tpu.memory_space<vmem>>, %arg18: memref<32x1024xf32, #tpu.memory_space<vmem>>, %arg19: memref<32x1024xf32, #tpu.memory_space<vmem>>, %arg20: memref<!tpu.dma_semaphore, #tpu.memory_space<semaphore_mem>>, %arg21: memref<!tpu.dma_semaphore, #tpu.memory_space<semaphore_mem>>, %arg22: memref<!tpu.dma_semaphore, #tpu.memory_space<semaphore_mem>>, %arg23: memref<!tpu.dma_semaphore, #tpu.memory_space<semaphore_mem>>, %arg24: memref<!tpu.dma_semaphore, #tpu.memory_space<semaphore_mem>>, %arg25: memref<!tpu.dma_semaphore, #tpu.memory_space<semaphore_mem>>, %arg26: memref<!tpu.dma_semaphore, #tpu.memory_space<semaphore_mem>>) attributes {dimension_semantics = [#tpu.dimension_semantics<core_parallel>, #tpu.dimension_semantics<subcore_parallel>], iteration_bounds = array<i64: 2, 16>, scalar_prefetch = 0 : i64, scratch_operands = 19 : i64, tpu.core_type = #tpu.core_type<sc_vector_subcore>, window_params = [{transform_indices = #map}, {transform_indices = #map1}, {transform_indices = #map}, {transform_indices = #map}, {transform_indices = #map}, {transform_indices = #map}]} {
    %mul3A = arith.constant 2 : i32
    %mul3A_0 = arith.muli %arg1, %mul3A : i32
    %add3A = arith.addi %mul3A_0, %arg0 : i32
    %ge3A = arith.constant 16 : i32
    %ge3A_1 = arith.cmpi sge, %add3A, %ge3A : i32
    %jit3A = arith.constant 1 : i32
    %jit3A_2 = arith.constant 0 : i32
    %select_n3A = arith.select %ge3A_1, %jit3A, %jit3A_2 : i32
    %mul3A_3 = arith.constant 96 : i32
    %mul3A_4 = arith.muli %add3A, %mul3A_3 : i32
    %mul3A_5 = arith.constant 1536 : i32
    %mul3A_6 = arith.muli %select_n3A, %mul3A_5 : i32
    %sub3A = arith.subi %mul3A_4, %mul3A_6 : i32
    %iota3A = tpu.iota {dimensions = array<i32: 0>} : vector<16xi32>
    %add3A_7 = arith.constant 0 : i32
    %add3A_8 = arith.addi %sub3A, %add3A_7 : i32
    %add3A_9 = vector.broadcast %add3A_8 : i32 to vector<16xi32>
    %add3A_10 = arith.addi %add3A_9, %iota3A : vector<16xi32>
    %mul3A_11 = arith.constant 4096 : i32
    %mul3A_12 = arith.muli %select_n3A, %mul3A_11 : i32
    %add3A_13 = vector.broadcast %mul3A_12 : i32 to vector<16xi32>
    %add3A_14 = arith.addi %add3A_13, %add3A_10 : vector<16xi32>
    %ge3A_15 = arith.constant 100 : i32
    %ge3A_16 = vector.broadcast %ge3A_15 : i32 to vector<16xi32>
    %ge3A_17 = arith.cmpi sge, %add3A_10, %ge3A_16 : vector<16xi32>
    %jit3A_18 = arith.constant 512 : i32
    %jit3A_19 = arith.constant 0 : i32
    %broadcast_in_dim3A = vector.broadcast %jit3A_18 : i32 to vector<16xi32>
    %broadcast_in_dim3A_20 = vector.broadcast %jit3A_19 : i32 to vector<16xi32>
    %select_n3A_21 = arith.select %ge3A_17, %broadcast_in_dim3A, %broadcast_in_dim3A_20 : vector<16xi1>, vector<16xi32>
    %ge3A_22 = arith.constant 488 : i32
    %ge3A_23 = vector.broadcast %ge3A_22 : i32 to vector<16xi32>
    %ge3A_24 = arith.cmpi sge, %add3A_10, %ge3A_23 : vector<16xi32>
    %jit3A_25 = arith.constant 1024 : i32
    %jit3A_26 = arith.constant 0 : i32
    %broadcast_in_dim3A_27 = vector.broadcast %jit3A_25 : i32 to vector<16xi32>
    %broadcast_in_dim3A_28 = vector.broadcast %jit3A_26 : i32 to vector<16xi32>
    %select_n3A_29 = arith.select %ge3A_24, %broadcast_in_dim3A_27, %broadcast_in_dim3A_28 : vector<16xi1>, vector<16xi32>
    %add3A_30 = arith.addi %select_n3A_21, %select_n3A_29 : vector<16xi32>
    %ge3A_31 = arith.constant 964 : i32
    %ge3A_32 = vector.broadcast %ge3A_31 : i32 to vector<16xi32>
    %ge3A_33 = arith.cmpi sge, %add3A_10, %ge3A_32 : vector<16xi32>
    %jit3A_34 = arith.constant 1024 : i32
    %jit3A_35 = arith.constant 0 : i32
    %broadcast_in_dim3A_36 = vector.broadcast %jit3A_34 : i32 to vector<16xi32>
    %broadcast_in_dim3A_37 = vector.broadcast %jit3A_35 : i32 to vector<16xi32>
    %select_n3A_38 = arith.select %ge3A_33, %broadcast_in_dim3A_36, %broadcast_in_dim3A_37 : vector<16xi1>, vector<16xi32>
    %add3A_39 = arith.addi %add3A_30, %select_n3A_38 : vector<16xi32>
    %add3A_40 = arith.addi %add3A_14, %add3A_39 : vector<16xi32>
    %swap3A = arith.constant 0 : index
    %swap3A_41 = tpu.vector_load %arg10[%swap3A] {strides = array<i32>} : memref<32xi32, #tpu.memory_space<vmem>>, vector<16xi32>,
    %swap3A_42 = vector.shape_cast %swap3A_41 : vector<16xi32> to vector<16xi32>
    %swap3A_43 = vector.shape_cast %add3A_40 : vector<16xi32> to vector<16xi32>
    tpu.vector_store %arg10[%swap3A], %swap3A_43 {strides = array<i32>} : memref<32xi32, #tpu.memory_space<vmem>>, vector<16xi32>,
    %swap3A_44 = arith.constant 0 : index
    %swap3A_45 = tpu.vector_load %arg8[%swap3A_44] {strides = array<i32>} : memref<96xi32, #tpu.memory_space<vmem>>, vector<16xi32>,
    %swap3A_46 = vector.shape_cast %swap3A_45 : vector<16xi32> to vector<16xi32>
    %swap3A_47 = vector.shape_cast %add3A_40 : vector<16xi32> to vector<16xi32>
    tpu.vector_store %arg8[%swap3A_44], %swap3A_47 {strides = array<i32>} : memref<96xi32, #tpu.memory_space<vmem>>, vector<16xi32>,
    %add3A_48 = arith.constant 16 : i32
    %add3A_49 = arith.addi %sub3A, %add3A_48 : i32
    %add3A_50 = vector.broadcast %add3A_49 : i32 to vector<16xi32>
    %add3A_51 = arith.addi %add3A_50, %iota3A : vector<16xi32>
    %mul3A_52 = arith.constant 4096 : i32
    %mul3A_53 = arith.muli %select_n3A, %mul3A_52 : i32
    %add3A_54 = vector.broadcast %mul3A_53 : i32 to vector<16xi32>
    %add3A_55 = arith.addi %add3A_54, %add3A_51 : vector<16xi32>
    %ge3A_56 = arith.constant 100 : i32
    %ge3A_57 = vector.broadcast %ge3A_56 : i32 to vector<16xi32>
    %ge3A_58 = arith.cmpi sge, %add3A_51, %ge3A_57 : vector<16xi32>
    %jit3A_59 = arith.constant 512 : i32
    %jit3A_60 = arith.constant 0 : i32
    %broadcast_in_dim3A_61 = vector.broadcast %jit3A_59 : i32 to vector<16xi32>
    %broadcast_in_dim3A_62 = vector.broadcast %jit3A_60 : i32 to vector<16xi32>
    %select_n3A_63 = arith.select %ge3A_58, %broadcast_in_dim3A_61, %broadcast_in_dim3A_62 : vector<16xi1>, vector<16xi32>
    %ge3A_64 = arith.constant 488 : i32
    %ge3A_65 = vector.broadcast %ge3A_64 : i32 to vector<16xi32>
    %ge3A_66 = arith.cmpi sge, %add3A_51, %ge3A_65 : vector<16xi32>
    %jit3A_67 = arith.constant 1024 : i32
    %jit3A_68 = arith.constant 0 : i32
    %broadcast_in_dim3A_69 = vector.broadcast %jit3A_67 : i32 to vector<16xi32>
    %broadcast_in_dim3A_70 = vector.broadcast %jit3A_68 : i32 to vector<16xi32>
    %select_n3A_71 = arith.select %ge3A_66, %broadcast_in_dim3A_69, %broadcast_in_dim3A_70 : vector<16xi1>, vector<16xi32>
    %add3A_72 = arith.addi %select_n3A_63, %select_n3A_71 : vector<16xi32>
    %ge3A_73 = arith.constant 964 : i32
    %ge3A_74 = vector.broadcast %ge3A_73 : i32 to vector<16xi32>
    %ge3A_75 = arith.cmpi sge, %add3A_51, %ge3A_74 : vector<16xi32>
    %jit3A_76 = arith.constant 1024 : i32
    %jit3A_77 = arith.constant 0 : i32
    %broadcast_in_dim3A_78 = vector.broadcast %jit3A_76 : i32 to vector<16xi32>
    %broadcast_in_dim3A_79 = vector.broadcast %jit3A_77 : i32 to vector<16xi32>
    %select_n3A_80 = arith.select %ge3A_75, %broadcast_in_dim3A_78, %broadcast_in_dim3A_79 : vector<16xi1>, vector<16xi32>
    %add3A_81 = arith.addi %add3A_72, %select_n3A_80 : vector<16xi32>
    %add3A_82 = arith.addi %add3A_55, %add3A_81 : vector<16xi32>
    %swap3A_83 = arith.constant 16 : index
    %swap3A_84 = tpu.vector_load %arg10[%swap3A_83] {strides = array<i32>} : memref<32xi32, #tpu.memory_space<vmem>>, vector<16xi32>,
    %swap3A_85 = vector.shape_cast %swap3A_84 : vector<16xi32> to vector<16xi32>
    %swap3A_86 = vector.shape_cast %add3A_82 : vector<16xi32> to vector<16xi32>
    tpu.vector_store %arg10[%swap3A_83], %swap3A_86 {strides = array<i32>} : memref<32xi32, #tpu.memory_space<vmem>>, vector<16xi32>,
    %swap3A_87 = arith.constant 16 : index
    %swap3A_88 = tpu.vector_load %arg8[%swap3A_87] {strides = array<i32>} : memref<96xi32, #tpu.memory_space<vmem>>, vector<16xi32>,
    %swap3A_89 = vector.shape_cast %swap3A_88 : vector<16xi32> to vector<16xi32>
    %swap3A_90 = vector.shape_cast %add3A_82 : vector<16xi32> to vector<16xi32>
    tpu.vector_store %arg8[%swap3A_87], %swap3A_90 {strides = array<i32>} : memref<96xi32, #tpu.memory_space<vmem>>, vector<16xi32>,
    %add3A_91 = arith.constant 32 : i32
    %add3A_92 = arith.addi %sub3A, %add3A_91 : i32
    %add3A_93 = vector.broadcast %add3A_92 : i32 to vector<16xi32>
    %add3A_94 = arith.addi %add3A_93, %iota3A : vector<16xi32>
    %mul3A_95 = arith.constant 4096 : i32
    %mul3A_96 = arith.muli %select_n3A, %mul3A_95 : i32
    %add3A_97 = vector.broadcast %mul3A_96 : i32 to vector<16xi32>
    %add3A_98 = arith.addi %add3A_97, %add3A_94 : vector<16xi32>
    %ge3A_99 = arith.constant 100 : i32
    %ge3A_100 = vector.broadcast %ge3A_99 : i32 to vector<16xi32>
    %ge3A_101 = arith.cmpi sge, %add3A_94, %ge3A_100 : vector<16xi32>
    %jit3A_102 = arith.constant 512 : i32
    %jit3A_103 = arith.constant 0 : i32
    %broadcast_in_dim3A_104 = vector.broadcast %jit3A_102 : i32 to vector<16xi32>
    %broadcast_in_dim3A_105 = vector.broadcast %jit3A_103 : i32 to vector<16xi32>
    %select_n3A_106 = arith.select %ge3A_101, %broadcast_in_dim3A_104, %broadcast_in_dim3A_105 : vector<16xi1>, vector<16xi32>
    %ge3A_107 = arith.constant 488 : i32
    %ge3A_108 = vector.broadcast %ge3A_107 : i32 to vector<16xi32>
    %ge3A_109 = arith.cmpi sge, %add3A_94, %ge3A_108 : vector<16xi32>
    %jit3A_110 = arith.constant 1024 : i32
    %jit3A_111 = arith.constant 0 : i32
    %broadcast_in_dim3A_112 = vector.broadcast %jit3A_110 : i32 to vector<16xi32>
    %broadcast_in_dim3A_113 = vector.broadcast %jit3A_111 : i32 to vector<16xi32>
    %select_n3A_114 = arith.select %ge3A_109, %broadcast_in_dim3A_112, %broadcast_in_dim3A_113 : vector<16xi1>, vector<16xi32>
    %add3A_115 = arith.addi %select_n3A_106, %select_n3A_114 : vector<16xi32>
    %ge3A_116 = arith.constant 964 : i32
    %ge3A_117 = vector.broadcast %ge3A_116 : i32 to vector<16xi32>
    %ge3A_118 = arith.cmpi sge, %add3A_94, %ge3A_117 : vector<16xi32>
    %jit3A_119 = arith.constant 1024 : i32
    %jit3A_120 = arith.constant 0 : i32
    %broadcast_in_dim3A_121 = vector.broadcast %jit3A_119 : i32 to vector<16xi32>
    %broadcast_in_dim3A_122 = vector.broadcast %jit3A_120 : i32 to vector<16xi32>
    %select_n3A_123 = arith.select %ge3A_118, %broadcast_in_dim3A_121, %broadcast_in_dim3A_122 : vector<16xi1>, vector<16xi32>
    %add3A_124 = arith.addi %add3A_115, %select_n3A_123 : vector<16xi32>
    %add3A_125 = arith.addi %add3A_98, %add3A_124 : vector<16xi32>
    %swap3A_126 = arith.constant 0 : index
    %swap3A_127 = tpu.vector_load %arg11[%swap3A_126] {strides = array<i32>} : memref<32xi32, #tpu.memory_space<vmem>>, vector<16xi32>,
    %swap3A_128 = vector.shape_cast %swap3A_127 : vector<16xi32> to vector<16xi32>
    %swap3A_129 = vector.shape_cast %add3A_125 : vector<16xi32> to vector<16xi32>
    tpu.vector_store %arg11[%swap3A_126], %swap3A_129 {strides = array<i32>} : memref<32xi32, #tpu.memory_space<vmem>>, vector<16xi32>,
    %swap3A_130 = arith.constant 32 : index
    %swap3A_131 = tpu.vector_load %arg8[%swap3A_130] {strides = array<i32>} : memref<96xi32, #tpu.memory_space<vmem>>, vector<16xi32>,
    %swap3A_132 = vector.shape_cast %swap3A_131 : vector<16xi32> to vector<16xi32>
    %swap3A_133 = vector.shape_cast %add3A_125 : vector<16xi32> to vector<16xi32>
    tpu.vector_store %arg8[%swap3A_130], %swap3A_133 {strides = array<i32>} : memref<96xi32, #tpu.memory_space<vmem>>, vector<16xi32>,
    %add3A_134 = arith.constant 48 : i32
    %add3A_135 = arith.addi %sub3A, %add3A_134 : i32
    %add3A_136 = vector.broadcast %add3A_135 : i32 to vector<16xi32>
    %add3A_137 = arith.addi %add3A_136, %iota3A : vector<16xi32>
    %mul3A_138 = arith.constant 4096 : i32
    %mul3A_139 = arith.muli %select_n3A, %mul3A_138 : i32
    %add3A_140 = vector.broadcast %mul3A_139 : i32 to vector<16xi32>
    %add3A_141 = arith.addi %add3A_140, %add3A_137 : vector<16xi32>
    %ge3A_142 = arith.constant 100 : i32
    %ge3A_143 = vector.broadcast %ge3A_142 : i32 to vector<16xi32>
    %ge3A_144 = arith.cmpi sge, %add3A_137, %ge3A_143 : vector<16xi32>
    %jit3A_145 = arith.constant 512 : i32
    %jit3A_146 = arith.constant 0 : i32
    %broadcast_in_dim3A_147 = vector.broadcast %jit3A_145 : i32 to vector<16xi32>
    %broadcast_in_dim3A_148 = vector.broadcast %jit3A_146 : i32 to vector<16xi32>
    %select_n3A_149 = arith.select %ge3A_144, %broadcast_in_dim3A_147, %broadcast_in_dim3A_148 : vector<16xi1>, vector<16xi32>
    %ge3A_150 = arith.constant 488 : i32
    %ge3A_151 = vector.broadcast %ge3A_150 : i32 to vector<16xi32>
    %ge3A_152 = arith.cmpi sge, %add3A_137, %ge3A_151 : vector<16xi32>
    %jit3A_153 = arith.constant 1024 : i32
    %jit3A_154 = arith.constant 0 : i32
    %broadcast_in_dim3A_155 = vector.broadcast %jit3A_153 : i32 to vector<16xi32>
    %broadcast_in_dim3A_156 = vector.broadcast %jit3A_154 : i32 to vector<16xi32>
    %select_n3A_157 = arith.select %ge3A_152, %broadcast_in_dim3A_155, %broadcast_in_dim3A_156 : vector<16xi1>, vector<16xi32>
    %add3A_158 = arith.addi %select_n3A_149, %select_n3A_157 : vector<16xi32>
    %ge3A_159 = arith.constant 964 : i32
    %ge3A_160 = vector.broadcast %ge3A_159 : i32 to vector<16xi32>
    %ge3A_161 = arith.cmpi sge, %add3A_137, %ge3A_160 : vector<16xi32>
    %jit3A_162 = arith.constant 1024 : i32
    %jit3A_163 = arith.constant 0 : i32
    %broadcast_in_dim3A_164 = vector.broadcast %jit3A_162 : i32 to vector<16xi32>
    %broadcast_in_dim3A_165 = vector.broadcast %jit3A_163 : i32 to vector<16xi32>
    %select_n3A_166 = arith.select %ge3A_161, %broadcast_in_dim3A_164, %broadcast_in_dim3A_165 : vector<16xi1>, vector<16xi32>
    %add3A_167 = arith.addi %add3A_158, %select_n3A_166 : vector<16xi32>
    %add3A_168 = arith.addi %add3A_141, %add3A_167 : vector<16xi32>
    %swap3A_169 = arith.constant 16 : index
    %swap3A_170 = tpu.vector_load %arg11[%swap3A_169] {strides = array<i32>} : memref<32xi32, #tpu.memory_space<vmem>>, vector<16xi32>,
    %swap3A_171 = vector.shape_cast %swap3A_170 : vector<16xi32> to vector<16xi32>
    %swap3A_172 = vector.shape_cast %add3A_168 : vector<16xi32> to vector<16xi32>
    tpu.vector_store %arg11[%swap3A_169], %swap3A_172 {strides = array<i32>} : memref<32xi32, #tpu.memory_space<vmem>>, vector<16xi32>,
    %swap3A_173 = arith.constant 48 : index
    %swap3A_174 = tpu.vector_load %arg8[%swap3A_173] {strides = array<i32>} : memref<96xi32, #tpu.memory_space<vmem>>, vector<16xi32>,
    %swap3A_175 = vector.shape_cast %swap3A_174 : vector<16xi32> to vector<16xi32>
    %swap3A_176 = vector.shape_cast %add3A_168 : vector<16xi32> to vector<16xi32>
    tpu.vector_store %arg8[%swap3A_173], %swap3A_176 {strides = array<i32>} : memref<96xi32, #tpu.memory_space<vmem>>, vector<16xi32>,
    %add3A_177 = arith.constant 64 : i32
    %add3A_178 = arith.addi %sub3A, %add3A_177 : i32
    %add3A_179 = vector.broadcast %add3A_178 : i32 to vector<16xi32>
    %add3A_180 = arith.addi %add3A_179, %iota3A : vector<16xi32>
    %mul3A_181 = arith.constant 4096 : i32
    %mul3A_182 = arith.muli %select_n3A, %mul3A_181 : i32
    %add3A_183 = vector.broadcast %mul3A_182 : i32 to vector<16xi32>
    %add3A_184 = arith.addi %add3A_183, %add3A_180 : vector<16xi32>
    %ge3A_185 = arith.constant 100 : i32
    %ge3A_186 = vector.broadcast %ge3A_185 : i32 to vector<16xi32>
    %ge3A_187 = arith.cmpi sge, %add3A_180, %ge3A_186 : vector<16xi32>
    %jit3A_188 = arith.constant 512 : i32
    %jit3A_189 = arith.constant 0 : i32
    %broadcast_in_dim3A_190 = vector.broadcast %jit3A_188 : i32 to vector<16xi32>
    %broadcast_in_dim3A_191 = vector.broadcast %jit3A_189 : i32 to vector<16xi32>
    %select_n3A_192 = arith.select %ge3A_187, %broadcast_in_dim3A_190, %broadcast_in_dim3A_191 : vector<16xi1>, vector<16xi32>
    %ge3A_193 = arith.constant 488 : i32
    %ge3A_194 = vector.broadcast %ge3A_193 : i32 to vector<16xi32>
    %ge3A_195 = arith.cmpi sge, %add3A_180, %ge3A_194 : vector<16xi32>
    %jit3A_196 = arith.constant 1024 : i32
    %jit3A_197 = arith.constant 0 : i32
    %broadcast_in_dim3A_198 = vector.broadcast %jit3A_196 : i32 to vector<16xi32>
    %broadcast_in_dim3A_199 = vector.broadcast %jit3A_197 : i32 to vector<16xi32>
    %select_n3A_200 = arith.select %ge3A_195, %broadcast_in_dim3A_198, %broadcast_in_dim3A_199 : vector<16xi1>, vector<16xi32>
    %add3A_201 = arith.addi %select_n3A_192, %select_n3A_200 : vector<16xi32>
    %ge3A_202 = arith.constant 964 : i32
    %ge3A_203 = vector.broadcast %ge3A_202 : i32 to vector<16xi32>
    %ge3A_204 = arith.cmpi sge, %add3A_180, %ge3A_203 : vector<16xi32>
    %jit3A_205 = arith.constant 1024 : i32
    %jit3A_206 = arith.constant 0 : i32
    %broadcast_in_dim3A_207 = vector.broadcast %jit3A_205 : i32 to vector<16xi32>
    %broadcast_in_dim3A_208 = vector.broadcast %jit3A_206 : i32 to vector<16xi32>
    %select_n3A_209 = arith.select %ge3A_204, %broadcast_in_dim3A_207, %broadcast_in_dim3A_208 : vector<16xi1>, vector<16xi32>
    %add3A_210 = arith.addi %add3A_201, %select_n3A_209 : vector<16xi32>
    %add3A_211 = arith.addi %add3A_184, %add3A_210 : vector<16xi32>
    %swap3A_212 = arith.constant 0 : index
    %swap3A_213 = tpu.vector_load %arg12[%swap3A_212] {strides = array<i32>} : memref<32xi32, #tpu.memory_space<vmem>>, vector<16xi32>,
    %swap3A_214 = vector.shape_cast %swap3A_213 : vector<16xi32> to vector<16xi32>
    %swap3A_215 = vector.shape_cast %add3A_211 : vector<16xi32> to vector<16xi32>
    tpu.vector_store %arg12[%swap3A_212], %swap3A_215 {strides = array<i32>} : memref<32xi32, #tpu.memory_space<vmem>>, vector<16xi32>,
    %swap3A_216 = arith.constant 64 : index
    %swap3A_217 = tpu.vector_load %arg8[%swap3A_216] {strides = array<i32>} : memref<96xi32, #tpu.memory_space<vmem>>, vector<16xi32>,
    %swap3A_218 = vector.shape_cast %swap3A_217 : vector<16xi32> to vector<16xi32>
    %swap3A_219 = vector.shape_cast %add3A_211 : vector<16xi32> to vector<16xi32>
    tpu.vector_store %arg8[%swap3A_216], %swap3A_219 {strides = array<i32>} : memref<96xi32, #tpu.memory_space<vmem>>, vector<16xi32>,
    %add3A_220 = arith.constant 80 : i32
    %add3A_221 = arith.addi %sub3A, %add3A_220 : i32
    %add3A_222 = vector.broadcast %add3A_221 : i32 to vector<16xi32>
    %add3A_223 = arith.addi %add3A_222, %iota3A : vector<16xi32>
    %mul3A_224 = arith.constant 4096 : i32
    %mul3A_225 = arith.muli %select_n3A, %mul3A_224 : i32
    %add3A_226 = vector.broadcast %mul3A_225 : i32 to vector<16xi32>
    %add3A_227 = arith.addi %add3A_226, %add3A_223 : vector<16xi32>
    %ge3A_228 = arith.constant 100 : i32
    %ge3A_229 = vector.broadcast %ge3A_228 : i32 to vector<16xi32>
    %ge3A_230 = arith.cmpi sge, %add3A_223, %ge3A_229 : vector<16xi32>
    %jit3A_231 = arith.constant 512 : i32
    %jit3A_232 = arith.constant 0 : i32
    %broadcast_in_dim3A_233 = vector.broadcast %jit3A_231 : i32 to vector<16xi32>
    %broadcast_in_dim3A_234 = vector.broadcast %jit3A_232 : i32 to vector<16xi32>
    %select_n3A_235 = arith.select %ge3A_230, %broadcast_in_dim3A_233, %broadcast_in_dim3A_234 : vector<16xi1>, vector<16xi32>
    %ge3A_236 = arith.constant 488 : i32
    %ge3A_237 = vector.broadcast %ge3A_236 : i32 to vector<16xi32>
    %ge3A_238 = arith.cmpi sge, %add3A_223, %ge3A_237 : vector<16xi32>
    %jit3A_239 = arith.constant 1024 : i32
    %jit3A_240 = arith.constant 0 : i32
    %broadcast_in_dim3A_241 = vector.broadcast %jit3A_239 : i32 to vector<16xi32>
    %broadcast_in_dim3A_242 = vector.broadcast %jit3A_240 : i32 to vector<16xi32>
    %select_n3A_243 = arith.select %ge3A_238, %broadcast_in_dim3A_241, %broadcast_in_dim3A_242 : vector<16xi1>, vector<16xi32>
    %add3A_244 = arith.addi %select_n3A_235, %select_n3A_243 : vector<16xi32>
    %ge3A_245 = arith.constant 964 : i32
    %ge3A_246 = vector.broadcast %ge3A_245 : i32 to vector<16xi32>
    %ge3A_247 = arith.cmpi sge, %add3A_223, %ge3A_246 : vector<16xi32>
    %jit3A_248 = arith.constant 1024 : i32
    %jit3A_249 = arith.constant 0 : i32
    %broadcast_in_dim3A_250 = vector.broadcast %jit3A_248 : i32 to vector<16xi32>
    %broadcast_in_dim3A_251 = vector.broadcast %jit3A_249 : i32 to vector<16xi32>
    %select_n3A_252 = arith.select %ge3A_247, %broadcast_in_dim3A_250, %broadcast_in_dim3A_251 : vector<16xi1>, vector<16xi32>
    %add3A_253 = arith.addi %add3A_244, %select_n3A_252 : vector<16xi32>
    %add3A_254 = arith.addi %add3A_227, %add3A_253 : vector<16xi32>
    %swap3A_255 = arith.constant 16 : index
    %swap3A_256 = tpu.vector_load %arg12[%swap3A_255] {strides = array<i32>} : memref<32xi32, #tpu.memory_space<vmem>>, vector<16xi32>,
    %swap3A_257 = vector.shape_cast %swap3A_256 : vector<16xi32> to vector<16xi32>
    %swap3A_258 = vector.shape_cast %add3A_254 : vector<16xi32> to vector<16xi32>
    tpu.vector_store %arg12[%swap3A_255], %swap3A_258 {strides = array<i32>} : memref<32xi32, #tpu.memory_space<vmem>>, vector<16xi32>,
    %swap3A_259 = arith.constant 80 : index
    %swap3A_260 = tpu.vector_load %arg8[%swap3A_259] {strides = array<i32>} : memref<96xi32, #tpu.memory_space<vmem>>, vector<16xi32>,
    %swap3A_261 = vector.shape_cast %swap3A_260 : vector<16xi32> to vector<16xi32>
    %swap3A_262 = vector.shape_cast %add3A_254 : vector<16xi32> to vector<16xi32>
    tpu.vector_store %arg8[%swap3A_259], %swap3A_262 {strides = array<i32>} : memref<96xi32, #tpu.memory_space<vmem>>, vector<16xi32>,
    %dma_start3A = arith.constant 0 : i32
    %dma_start3A_263 = tpu.memref_slice %arg3[%dma_start3A] : memref<8192xi32, #tpu.memory_space<hbm>> -> memref<8192xi32, #tpu.memory_space<hbm>>
    tpu.enqueue_indirect_dma source(%dma_start3A_263 : memref<8192xi32, #tpu.memory_space<hbm>>) target(%arg9 : memref<96xi32, #tpu.memory_space<vmem>>) offsets(%arg8 : memref<96xi32, #tpu.memory_space<vmem>>) semaphore(%arg26 : memref<!tpu.dma_semaphore, #tpu.memory_space<semaphore_mem>>)
    %mul3A_264 = arith.constant 16 : i32
    %mul3A_265 = arith.muli %add3A, %mul3A_264 : i32
    %add3A_266 = arith.constant 100 : i32
    %add3A_267 = arith.addi %add3A_266, %mul3A_265 : i32
    %add3A_268 = vector.broadcast %add3A_267 : i32 to vector<16xi32>
    %add3A_269 = arith.addi %add3A_268, %iota3A : vector<16xi32>
    %swap3A_270 = arith.constant 0 : index
    %swap3A_271 = tpu.vector_load %arg13[%swap3A_270] {strides = array<i32>} : memref<16xi32, #tpu.memory_space<vmem>>, vector<16xi32>,
    %swap3A_272 = vector.shape_cast %swap3A_271 : vector<16xi32> to vector<16xi32>
    %swap3A_273 = vector.shape_cast %add3A_269 : vector<16xi32> to vector<16xi32>
    tpu.vector_store %arg13[%swap3A_270], %swap3A_273 {strides = array<i32>} : memref<16xi32, #tpu.memory_space<vmem>>, vector<16xi32>,
    %mul3A_274 = arith.constant 32 : i32
    %mul3A_275 = arith.muli %add3A, %mul3A_274 : i32
    %add3A_276 = arith.constant 2500 : i32
    %add3A_277 = arith.addi %add3A_276, %mul3A_275 : i32
    %add3A_278 = arith.constant 0 : i32
    %add3A_279 = arith.addi %add3A_277, %add3A_278 : i32
    %add3A_280 = vector.broadcast %add3A_279 : i32 to vector<16xi32>
    %add3A_281 = arith.addi %add3A_280, %iota3A : vector<16xi32>
    %swap3A_282 = arith.constant 0 : index
    %swap3A_283 = tpu.vector_load %arg15[%swap3A_282] {strides = array<i32>} : memref<32xi32, #tpu.memory_space<vmem>>, vector<16xi32>,
    %swap3A_284 = vector.shape_cast %swap3A_283 : vector<16xi32> to vector<16xi32>
    %swap3A_285 = vector.shape_cast %add3A_281 : vector<16xi32> to vector<16xi32>
    tpu.vector_store %arg15[%swap3A_282], %swap3A_285 {strides = array<i32>} : memref<32xi32, #tpu.memory_space<vmem>>, vector<16xi32>,
    %mul3A_286 = arith.constant 32 : i32
    %mul3A_287 = arith.muli %add3A, %mul3A_286 : i32
    %add3A_288 = arith.constant 2500 : i32
    %add3A_289 = arith.addi %add3A_288, %mul3A_287 : i32
    %add3A_290 = arith.constant 16 : i32
    %add3A_291 = arith.addi %add3A_289, %add3A_290 : i32
    %add3A_292 = vector.broadcast %add3A_291 : i32 to vector<16xi32>
    %add3A_293 = arith.addi %add3A_292, %iota3A : vector<16xi32>
    %swap3A_294 = arith.constant 16 : index
    %swap3A_295 = tpu.vector_load %arg15[%swap3A_294] {strides = array<i32>} : memref<32xi32, #tpu.memory_space<vmem>>, vector<16xi32>,
    %swap3A_296 = vector.shape_cast %swap3A_295 : vector<16xi32> to vector<16xi32>
    %swap3A_297 = vector.shape_cast %add3A_293 : vector<16xi32> to vector<16xi32>
    tpu.vector_store %arg15[%swap3A_294], %swap3A_297 {strides = array<i32>} : memref<32xi32, #tpu.memory_space<vmem>>, vector<16xi32>,
    %mul3A_298 = arith.constant 16 : i32
    %mul3A_299 = arith.muli %add3A, %mul3A_298 : i32
    %add3A_300 = arith.constant 4196 : i32
    %add3A_301 = arith.addi %add3A_300, %mul3A_299 : i32
    %add3A_302 = vector.broadcast %add3A_301 : i32 to vector<16xi32>
    %add3A_303 = arith.addi %add3A_302, %iota3A : vector<16xi32>
    %swap3A_304 = arith.constant 0 : index
    %swap3A_305 = tpu.vector_load %arg14[%swap3A_304] {strides = array<i32>} : memref<16xi32, #tpu.memory_space<vmem>>, vector<16xi32>,
    %swap3A_306 = vector.shape_cast %swap3A_305 : vector<16xi32> to vector<16xi32>
    %swap3A_307 = vector.shape_cast %add3A_303 : vector<16xi32> to vector<16xi32>
    tpu.vector_store %arg14[%swap3A_304], %swap3A_307 {strides = array<i32>} : memref<16xi32, #tpu.memory_space<vmem>>, vector<16xi32>,
    %mul3A_308 = arith.constant 32 : i32
    %mul3A_309 = arith.muli %add3A, %mul3A_308 : i32
    %add3A_310 = arith.constant 6596 : i32
    %add3A_311 = arith.addi %add3A_310, %mul3A_309 : i32
    %add3A_312 = arith.constant 0 : i32
    %add3A_313 = arith.addi %add3A_311, %add3A_312 : i32
    %add3A_314 = vector.broadcast %add3A_313 : i32 to vector<16xi32>
    %add3A_315 = arith.addi %add3A_314, %iota3A : vector<16xi32>
    %swap3A_316 = arith.constant 0 : index
    %swap3A_317 = tpu.vector_load %arg16[%swap3A_316] {strides = array<i32>} : memref<32xi32, #tpu.memory_space<vmem>>, vector<16xi32>,
    %swap3A_318 = vector.shape_cast %swap3A_317 : vector<16xi32> to vector<16xi32>
    %swap3A_319 = vector.shape_cast %add3A_315 : vector<16xi32> to vector<16xi32>
    tpu.vector_store %arg16[%swap3A_316], %swap3A_319 {strides = array<i32>} : memref<32xi32, #tpu.memory_space<vmem>>, vector<16xi32>,
    %mul3A_320 = arith.constant 32 : i32
    %mul3A_321 = arith.muli %add3A, %mul3A_320 : i32
    %add3A_322 = arith.constant 6596 : i32
    %add3A_323 = arith.addi %add3A_322, %mul3A_321 : i32
    %add3A_324 = arith.constant 16 : i32
    %add3A_325 = arith.addi %add3A_323, %add3A_324 : i32
    %add3A_326 = vector.broadcast %add3A_325 : i32 to vector<16xi32>
    %add3A_327 = arith.addi %add3A_326, %iota3A : vector<16xi32>
    %swap3A_328 = arith.constant 16 : index
    %swap3A_329 = tpu.vector_load %arg16[%swap3A_328] {strides = array<i32>} : memref<32xi32, #tpu.memory_space<vmem>>, vector<16xi32>,
    %swap3A_330 = vector.shape_cast %swap3A_329 : vector<16xi32> to vector<16xi32>
    %swap3A_331 = vector.shape_cast %add3A_327 : vector<16xi32> to vector<16xi32>
    tpu.vector_store %arg16[%swap3A_328], %swap3A_331 {strides = array<i32>} : memref<32xi32, #tpu.memory_space<vmem>>, vector<16xi32>,
    %mul3A_332 = arith.constant 16 : i32
    %mul3A_333 = arith.muli %add3A, %mul3A_332 : i32
    %add3A_334 = arith.constant 0 : i32
    %add3A_335 = arith.addi %add3A_334, %mul3A_333 : i32
    %dma_start3A_336 = arith.constant 0 : i32
    %dma_start3A_337 = arith.constant 0 : i32
    %dma_start3A_338 = tpu.memref_slice %arg17[%dma_start3A_336, %dma_start3A_337] : memref<32x1024xf32, #tpu.memory_space<vmem>> -> memref<16x1024xf32, #tpu.memory_space<vmem>>
    %dma_start3A_339 = arith.constant 0 : i32
    %dma_start3A_340 = tpu.memref_slice %arg4[%add3A_335, %dma_start3A_339] : memref<1024x1024xf32, #tpu.memory_space<hbm>> -> memref<16x1024xf32, #tpu.memory_space<hbm>>
    %dma_start3A_341 = arith.constant 0 : i32
    %dma_start3A_342 = arith.constant 0 : i32
    %dma_start3A_343 = tpu.memref_slice %arg17[%dma_start3A_341, %dma_start3A_342] : memref<32x1024xf32, #tpu.memory_space<vmem>> -> memref<16x1024xf32, #tpu.memory_space<vmem>>
    %dma_start3A_344 = arith.constant 0 : i32
    %dma_start3A_345 = tpu.memref_slice %arg4[%add3A_335, %dma_start3A_344] : memref<1024x1024xf32, #tpu.memory_space<hbm>> -> memref<16x1024xf32, #tpu.memory_space<hbm>>
    tpu.enqueue_dma source(%dma_start3A_345 : memref<16x1024xf32, #tpu.memory_space<hbm>>) target(%dma_start3A_343 : memref<16x1024xf32, #tpu.memory_space<vmem>>) target_semaphore(%arg20 : memref<!tpu.dma_semaphore, #tpu.memory_space<semaphore_mem>>)
    %dma_wait3A = arith.constant 0 : i32
    %dma_wait3A_346 = tpu.memref_slice %arg3[%dma_wait3A] : memref<8192xi32, #tpu.memory_space<hbm>> -> memref<8192xi32, #tpu.memory_space<hbm>>
    tpu.wait_indirect_dma semaphore(%arg26 : memref<!tpu.dma_semaphore, #tpu.memory_space<semaphore_mem>>) src(%dma_wait3A_346 : memref<8192xi32, #tpu.memory_space<hbm>>) dst(%arg9 : memref<96xi32, #tpu.memory_space<vmem>>)
    %dma_start3A_347 = arith.constant 0 : i32
    %dma_start3A_348 = tpu.memref_slice %arg9[%dma_start3A_347] : memref<96xi32, #tpu.memory_space<vmem>> -> memref<32xi32, #tpu.memory_space<vmem>>
    %dma_start3A_349 = arith.constant 0 : i32
    %dma_start3A_350 = arith.constant 0 : i32
    %dma_start3A_351 = tpu.memref_slice %arg2[%dma_start3A_349, %dma_start3A_350] : memref<100000x1024xf32, #tpu.memory_space<hbm>> -> memref<100000x1024xf32, #tpu.memory_space<hbm>>
    tpu.enqueue_indirect_dma source(%dma_start3A_351 : memref<100000x1024xf32, #tpu.memory_space<hbm>>) target(%arg18 : memref<32x1024xf32, #tpu.memory_space<vmem>>) offsets(%dma_start3A_348 : memref<32xi32, #tpu.memory_space<vmem>>) semaphore(%arg21 : memref<!tpu.dma_semaphore, #tpu.memory_space<semaphore_mem>>)
    %dma_wait3A_352 = arith.constant 0 : i32
    %dma_wait3A_353 = arith.constant 0 : i32
    %dma_wait3A_354 = tpu.memref_slice %arg17[%dma_wait3A_352, %dma_wait3A_353] : memref<32x1024xf32, #tpu.memory_space<vmem>> -> memref<16x1024xf32, #tpu.memory_space<vmem>>
    %dma_wait3A_355 = arith.constant 0 : i32
    %dma_wait3A_356 = tpu.memref_slice %arg4[%add3A_335, %dma_wait3A_355] : memref<1024x1024xf32, #tpu.memory_space<hbm>> -> memref<16x1024xf32, #tpu.memory_space<hbm>>
    %dma_wait3A_357 = arith.constant 0 : i32
    %dma_wait3A_358 = arith.constant 0 : i32
    %dma_wait3A_359 = tpu.memref_slice %arg17[%dma_wait3A_357, %dma_wait3A_358] : memref<32x1024xf32, #tpu.memory_space<vmem>> -> memref<16x1024xf32, #tpu.memory_space<vmem>>
    %dma_wait3A_360 = arith.constant 0 : i32
    %dma_wait3A_361 = tpu.memref_slice %arg4[%add3A_335, %dma_wait3A_360] : memref<1024x1024xf32, #tpu.memory_space<hbm>> -> memref<16x1024xf32, #tpu.memory_space<hbm>>
    tpu.wait_dma2 semaphore(%arg20 : memref<!tpu.dma_semaphore, #tpu.memory_space<semaphore_mem>>) src(%dma_wait3A_361 : memref<16x1024xf32, #tpu.memory_space<hbm>>) dst(%dma_wait3A_359 : memref<16x1024xf32, #tpu.memory_space<vmem>>)
    %dma_start3A_362 = arith.constant 0 : i32
    %dma_start3A_363 = arith.constant 0 : i32
    %dma_start3A_364 = tpu.memref_slice %arg17[%dma_start3A_362, %dma_start3A_363] : memref<32x1024xf32, #tpu.memory_space<vmem>> -> memref<16x1024xf32, #tpu.memory_space<vmem>>
    %dma_start3A_365 = arith.constant 0 : i32
    %dma_start3A_366 = arith.constant 0 : i32
    %dma_start3A_367 = tpu.memref_slice %arg7[%dma_start3A_365, %dma_start3A_366] : memref<8192x1024xf32, #tpu.memory_space<hbm>> -> memref<8192x1024xf32, #tpu.memory_space<hbm>>
    tpu.enqueue_indirect_dma source(%dma_start3A_364 : memref<16x1024xf32, #tpu.memory_space<vmem>>) target(%dma_start3A_367 : memref<8192x1024xf32, #tpu.memory_space<hbm>>) offsets(%arg13 : memref<16xi32, #tpu.memory_space<vmem>>) semaphore(%arg23 : memref<!tpu.dma_semaphore, #tpu.memory_space<semaphore_mem>>)
    %mul3A_368 = arith.constant 32 : i32
    %mul3A_369 = arith.muli %add3A, %mul3A_368 : i32
    %add3A_370 = arith.constant 0 : i32
    %add3A_371 = arith.addi %add3A_370, %mul3A_369 : i32
    %dma_start3A_372 = arith.constant 0 : i32
    %dma_start3A_373 = tpu.memref_slice %arg5[%add3A_371, %dma_start3A_372] : memref<2048x1024xf32, #tpu.memory_space<hbm>> -> memref<32x1024xf32, #tpu.memory_space<hbm>>
    %dma_start3A_374 = arith.constant 0 : i32
    %dma_start3A_375 = tpu.memref_slice %arg5[%add3A_371, %dma_start3A_374] : memref<2048x1024xf32, #tpu.memory_space<hbm>> -> memref<32x1024xf32, #tpu.memory_space<hbm>>
    tpu.enqueue_dma source(%dma_start3A_375 : memref<32x1024xf32, #tpu.memory_space<hbm>>) target(%arg19 : memref<32x1024xf32, #tpu.memory_space<vmem>>) target_semaphore(%arg22 : memref<!tpu.dma_semaphore, #tpu.memory_space<semaphore_mem>>)
    %dma_wait3A_376 = arith.constant 0 : i32
    %dma_wait3A_377 = tpu.memref_slice %arg9[%dma_wait3A_376] : memref<96xi32, #tpu.memory_space<vmem>> -> memref<32xi32, #tpu.memory_space<vmem>>
    %dma_wait3A_378 = arith.constant 0 : i32
    %dma_wait3A_379 = arith.constant 0 : i32
    %dma_wait3A_380 = tpu.memref_slice %arg2[%dma_wait3A_378, %dma_wait3A_379] : memref<100000x1024xf32, #tpu.memory_space<hbm>> -> memref<100000x1024xf32, #tpu.memory_space<hbm>>
    tpu.wait_indirect_dma semaphore(%arg21 : memref<!tpu.dma_semaphore, #tpu.memory_space<semaphore_mem>>) src(%dma_wait3A_380 : memref<100000x1024xf32, #tpu.memory_space<hbm>>) dst(%arg18 : memref<32x1024xf32, #tpu.memory_space<vmem>>)
    %dma_start3A_381 = arith.constant 0 : i32
    %dma_start3A_382 = arith.constant 0 : i32
    %dma_start3A_383 = tpu.memref_slice %arg7[%dma_start3A_381, %dma_start3A_382] : memref<8192x1024xf32, #tpu.memory_space<hbm>> -> memref<8192x1024xf32, #tpu.memory_space<hbm>>
    tpu.enqueue_indirect_dma source(%arg18 : memref<32x1024xf32, #tpu.memory_space<vmem>>) target(%dma_start3A_383 : memref<8192x1024xf32, #tpu.memory_space<hbm>>) offsets(%arg10 : memref<32xi32, #tpu.memory_space<vmem>>) semaphore(%arg24 : memref<!tpu.dma_semaphore, #tpu.memory_space<semaphore_mem>>)
    %dma_wait3A_384 = arith.constant 0 : i32
    %dma_wait3A_385 = arith.constant 0 : i32
    %dma_wait3A_386 = tpu.memref_slice %arg17[%dma_wait3A_384, %dma_wait3A_385] : memref<32x1024xf32, #tpu.memory_space<vmem>> -> memref<16x1024xf32, #tpu.memory_space<vmem>>
    %dma_wait3A_387 = arith.constant 0 : i32
    %dma_wait3A_388 = arith.constant 0 : i32
    %dma_wait3A_389 = tpu.memref_slice %arg7[%dma_wait3A_387, %dma_wait3A_388] : memref<8192x1024xf32, #tpu.memory_space<hbm>> -> memref<8192x1024xf32, #tpu.memory_space<hbm>>
    tpu.wait_indirect_dma semaphore(%arg23 : memref<!tpu.dma_semaphore, #tpu.memory_space<semaphore_mem>>) src(%dma_wait3A_386 : memref<16x1024xf32, #tpu.memory_space<vmem>>) dst(%dma_wait3A_389 : memref<8192x1024xf32, #tpu.memory_space<hbm>>)
    %dma_start3A_390 = arith.constant 32 : i32
    %dma_start3A_391 = tpu.memref_slice %arg9[%dma_start3A_390] : memref<96xi32, #tpu.memory_space<vmem>> -> memref<32xi32, #tpu.memory_space<vmem>>
    %dma_start3A_392 = arith.constant 0 : i32
    %dma_start3A_393 = arith.constant 0 : i32
    %dma_start3A_394 = tpu.memref_slice %arg2[%dma_start3A_392, %dma_start3A_393] : memref<100000x1024xf32, #tpu.memory_space<hbm>> -> memref<100000x1024xf32, #tpu.memory_space<hbm>>
    tpu.enqueue_indirect_dma source(%dma_start3A_394 : memref<100000x1024xf32, #tpu.memory_space<hbm>>) target(%arg17 : memref<32x1024xf32, #tpu.memory_space<vmem>>) offsets(%dma_start3A_391 : memref<32xi32, #tpu.memory_space<vmem>>) semaphore(%arg20 : memref<!tpu.dma_semaphore, #tpu.memory_space<semaphore_mem>>)
    %dma_wait3A_395 = arith.constant 0 : i32
    %dma_wait3A_396 = tpu.memref_slice %arg5[%add3A_371, %dma_wait3A_395] : memref<2048x1024xf32, #tpu.memory_space<hbm>> -> memref<32x1024xf32, #tpu.memory_space<hbm>>
    %dma_wait3A_397 = arith.constant 0 : i32
    %dma_wait3A_398 = tpu.memref_slice %arg5[%add3A_371, %dma_wait3A_397] : memref<2048x1024xf32, #tpu.memory_space<hbm>> -> memref<32x1024xf32, #tpu.memory_space<hbm>>
    tpu.wait_dma2 semaphore(%arg22 : memref<!tpu.dma_semaphore, #tpu.memory_space<semaphore_mem>>) src(%dma_wait3A_398 : memref<32x1024xf32, #tpu.memory_space<hbm>>) dst(%arg19 : memref<32x1024xf32, #tpu.memory_space<vmem>>)
    %mul3A_399 = arith.constant 32 : i32
    %mul3A_400 = arith.muli %add3A, %mul3A_399 : i32
    %add3A_401 = arith.constant 1000 : i32
    %add3A_402 = arith.addi %add3A_401, %mul3A_400 : i32
    %dma_start3A_403 = arith.constant 0 : i32
    %dma_start3A_404 = tpu.memref_slice %arg7[%add3A_402, %dma_start3A_403] : memref<8192x1024xf32, #tpu.memory_space<hbm>> -> memref<32x1024xf32, #tpu.memory_space<hbm>>
    %dma_start3A_405 = arith.constant 0 : i32
    %dma_start3A_406 = tpu.memref_slice %arg7[%add3A_402, %dma_start3A_405] : memref<8192x1024xf32, #tpu.memory_space<hbm>> -> memref<32x1024xf32, #tpu.memory_space<hbm>>
    tpu.enqueue_dma source(%arg19 : memref<32x1024xf32, #tpu.memory_space<vmem>>) target(%dma_start3A_406 : memref<32x1024xf32, #tpu.memory_space<hbm>>) target_semaphore(%arg25 : memref<!tpu.dma_semaphore, #tpu.memory_space<semaphore_mem>>)
    %dma_wait3A_407 = arith.constant 0 : i32
    %dma_wait3A_408 = arith.constant 0 : i32
    %dma_wait3A_409 = tpu.memref_slice %arg7[%dma_wait3A_407, %dma_wait3A_408] : memref<8192x1024xf32, #tpu.memory_space<hbm>> -> memref<8192x1024xf32, #tpu.memory_space<hbm>>
    tpu.wait_indirect_dma semaphore(%arg24 : memref<!tpu.dma_semaphore, #tpu.memory_space<semaphore_mem>>) src(%arg18 : memref<32x1024xf32, #tpu.memory_space<vmem>>) dst(%dma_wait3A_409 : memref<8192x1024xf32, #tpu.memory_space<hbm>>)
    %mul3A_410 = arith.constant 32 : i32
    %mul3A_411 = arith.muli %add3A, %mul3A_410 : i32
    %add3A_412 = arith.constant 0 : i32
    %add3A_413 = arith.addi %add3A_412, %mul3A_411 : i32
    %dma_start3A_414 = arith.constant 0 : i32
    %dma_start3A_415 = tpu.memref_slice %arg6[%add3A_413, %dma_start3A_414] : memref<2048x1024xf32, #tpu.memory_space<hbm>> -> memref<32x1024xf32, #tpu.memory_space<hbm>>
    %dma_start3A_416 = arith.constant 0 : i32
    %dma_start3A_417 = tpu.memref_slice %arg6[%add3A_413, %dma_start3A_416] : memref<2048x1024xf32, #tpu.memory_space<hbm>> -> memref<32x1024xf32, #tpu.memory_space<hbm>>
    tpu.enqueue_dma source(%dma_start3A_417 : memref<32x1024xf32, #tpu.memory_space<hbm>>) target(%arg18 : memref<32x1024xf32, #tpu.memory_space<vmem>>) target_semaphore(%arg21 : memref<!tpu.dma_semaphore, #tpu.memory_space<semaphore_mem>>)
    %dma_wait3A_418 = arith.constant 32 : i32
    %dma_wait3A_419 = tpu.memref_slice %arg9[%dma_wait3A_418] : memref<96xi32, #tpu.memory_space<vmem>> -> memref<32xi32, #tpu.memory_space<vmem>>
    %dma_wait3A_420 = arith.constant 0 : i32
    %dma_wait3A_421 = arith.constant 0 : i32
    %dma_wait3A_422 = tpu.memref_slice %arg2[%dma_wait3A_420, %dma_wait3A_421] : memref<100000x1024xf32, #tpu.memory_space<hbm>> -> memref<100000x1024xf32, #tpu.memory_space<hbm>>
    tpu.wait_indirect_dma semaphore(%arg20 : memref<!tpu.dma_semaphore, #tpu.memory_space<semaphore_mem>>) src(%dma_wait3A_422 : memref<100000x1024xf32, #tpu.memory_space<hbm>>) dst(%arg17 : memref<32x1024xf32, #tpu.memory_space<vmem>>)
    %dma_start3A_423 = arith.constant 0 : i32
    %dma_start3A_424 = arith.constant 0 : i32
    %dma_start3A_425 = tpu.memref_slice %arg7[%dma_start3A_423, %dma_start3A_424] : memref<8192x1024xf32, #tpu.memory_space<hbm>> -> memref<8192x1024xf32, #tpu.memory_space<hbm>>
    tpu.enqueue_indirect_dma source(%arg17 : memref<32x1024xf32, #tpu.memory_space<vmem>>) target(%dma_start3A_425 : memref<8192x1024xf32, #tpu.memory_space<hbm>>) offsets(%arg11 : memref<32xi32, #tpu.memory_space<vmem>>) semaphore(%arg23 : memref<!tpu.dma_semaphore, #tpu.memory_space<semaphore_mem>>)
    %dma_wait3A_426 = arith.constant 0 : i32
    %dma_wait3A_427 = tpu.memref_slice %arg7[%add3A_402, %dma_wait3A_426] : memref<8192x1024xf32, #tpu.memory_space<hbm>> -> memref<32x1024xf32, #tpu.memory_space<hbm>>
    %dma_wait3A_428 = arith.constant 0 : i32
    %dma_wait3A_429 = tpu.memref_slice %arg7[%add3A_402, %dma_wait3A_428] : memref<8192x1024xf32, #tpu.memory_space<hbm>> -> memref<32x1024xf32, #tpu.memory_space<hbm>>
    tpu.wait_dma2 semaphore(%arg25 : memref<!tpu.dma_semaphore, #tpu.memory_space<semaphore_mem>>) src(%arg19 : memref<32x1024xf32, #tpu.memory_space<vmem>>) dst(%dma_wait3A_429 : memref<32x1024xf32, #tpu.memory_space<hbm>>)
    %dma_start3A_430 = arith.constant 64 : i32
    %dma_start3A_431 = tpu.memref_slice %arg9[%dma_start3A_430] : memref<96xi32, #tpu.memory_space<vmem>> -> memref<32xi32, #tpu.memory_space<vmem>>
    %dma_start3A_432 = arith.constant 0 : i32
    %dma_start3A_433 = arith.constant 0 : i32
    %dma_start3A_434 = tpu.memref_slice %arg2[%dma_start3A_432, %dma_start3A_433] : memref<100000x1024xf32, #tpu.memory_space<hbm>> -> memref<100000x1024xf32, #tpu.memory_space<hbm>>
    tpu.enqueue_indirect_dma source(%dma_start3A_434 : memref<100000x1024xf32, #tpu.memory_space<hbm>>) target(%arg19 : memref<32x1024xf32, #tpu.memory_space<vmem>>) offsets(%dma_start3A_431 : memref<32xi32, #tpu.memory_space<vmem>>) semaphore(%arg22 : memref<!tpu.dma_semaphore, #tpu.memory_space<semaphore_mem>>)
    %dma_wait3A_435 = arith.constant 0 : i32
    %dma_wait3A_436 = tpu.memref_slice %arg6[%add3A_413, %dma_wait3A_435] : memref<2048x1024xf32, #tpu.memory_space<hbm>> -> memref<32x1024xf32, #tpu.memory_space<hbm>>
    %dma_wait3A_437 = arith.constant 0 : i32
    %dma_wait3A_438 = tpu.memref_slice %arg6[%add3A_413, %dma_wait3A_437] : memref<2048x1024xf32, #tpu.memory_space<hbm>> -> memref<32x1024xf32, #tpu.memory_space<hbm>>
    tpu.wait_dma2 semaphore(%arg21 : memref<!tpu.dma_semaphore, #tpu.memory_space<semaphore_mem>>) src(%dma_wait3A_438 : memref<32x1024xf32, #tpu.memory_space<hbm>>) dst(%arg18 : memref<32x1024xf32, #tpu.memory_space<vmem>>)
    %dma_start3A_439 = arith.constant 0 : i32
    %dma_start3A_440 = arith.constant 0 : i32
    %dma_start3A_441 = tpu.memref_slice %arg7[%dma_start3A_439, %dma_start3A_440] : memref<8192x1024xf32, #tpu.memory_space<hbm>> -> memref<8192x1024xf32, #tpu.memory_space<hbm>>
    tpu.enqueue_indirect_dma source(%arg18 : memref<32x1024xf32, #tpu.memory_space<vmem>>) target(%dma_start3A_441 : memref<8192x1024xf32, #tpu.memory_space<hbm>>) offsets(%arg15 : memref<32xi32, #tpu.memory_space<vmem>>) semaphore(%arg24 : memref<!tpu.dma_semaphore, #tpu.memory_space<semaphore_mem>>)
    %dma_wait3A_442 = arith.constant 0 : i32
    %dma_wait3A_443 = arith.constant 0 : i32
    %dma_wait3A_444 = tpu.memref_slice %arg7[%dma_wait3A_442, %dma_wait3A_443] : memref<8192x1024xf32, #tpu.memory_space<hbm>> -> memref<8192x1024xf32, #tpu.memory_space<hbm>>
    tpu.wait_indirect_dma semaphore(%arg23 : memref<!tpu.dma_semaphore, #tpu.memory_space<semaphore_mem>>) src(%arg17 : memref<32x1024xf32, #tpu.memory_space<vmem>>) dst(%dma_wait3A_444 : memref<8192x1024xf32, #tpu.memory_space<hbm>>)
    %mul3A_445 = arith.constant 32 : i32
    %mul3A_446 = arith.muli %add3A, %mul3A_445 : i32
    %add3A_447 = arith.constant 1024 : i32
    %add3A_448 = arith.addi %add3A_447, %mul3A_446 : i32
    %dma_start3A_449 = arith.constant 0 : i32
    %dma_start3A_450 = tpu.memref_slice %arg5[%add3A_448, %dma_start3A_449] : memref<2048x1024xf32, #tpu.memory_space<hbm>> -> memref<32x1024xf32, #tpu.memory_space<hbm>>
    %dma_start3A_451 = arith.constant 0 : i32
    %dma_start3A_452 = tpu.memref_slice %arg5[%add3A_448, %dma_start3A_451] : memref<2048x1024xf32, #tpu.memory_space<hbm>> -> memref<32x1024xf32, #tpu.memory_space<hbm>>
    tpu.enqueue_dma source(%dma_start3A_452 : memref<32x1024xf32, #tpu.memory_space<hbm>>) target(%arg17 : memref<32x1024xf32, #tpu.memory_space<vmem>>) target_semaphore(%arg20 : memref<!tpu.dma_semaphore, #tpu.memory_space<semaphore_mem>>)
    %dma_wait3A_453 = arith.constant 64 : i32
    %dma_wait3A_454 = tpu.memref_slice %arg9[%dma_wait3A_453] : memref<96xi32, #tpu.memory_space<vmem>> -> memref<32xi32, #tpu.memory_space<vmem>>
    %dma_wait3A_455 = arith.constant 0 : i32
    %dma_wait3A_456 = arith.constant 0 : i32
    %dma_wait3A_457 = tpu.memref_slice %arg2[%dma_wait3A_455, %dma_wait3A_456] : memref<100000x1024xf32, #tpu.memory_space<hbm>> -> memref<100000x1024xf32, #tpu.memory_space<hbm>>
    tpu.wait_indirect_dma semaphore(%arg22 : memref<!tpu.dma_semaphore, #tpu.memory_space<semaphore_mem>>) src(%dma_wait3A_457 : memref<100000x1024xf32, #tpu.memory_space<hbm>>) dst(%arg19 : memref<32x1024xf32, #tpu.memory_space<vmem>>)
    %dma_start3A_458 = arith.constant 0 : i32
    %dma_start3A_459 = arith.constant 0 : i32
    %dma_start3A_460 = tpu.memref_slice %arg7[%dma_start3A_458, %dma_start3A_459] : memref<8192x1024xf32, #tpu.memory_space<hbm>> -> memref<8192x1024xf32, #tpu.memory_space<hbm>>
    tpu.enqueue_indirect_dma source(%arg19 : memref<32x1024xf32, #tpu.memory_space<vmem>>) target(%dma_start3A_460 : memref<8192x1024xf32, #tpu.memory_space<hbm>>) offsets(%arg12 : memref<32xi32, #tpu.memory_space<vmem>>) semaphore(%arg25 : memref<!tpu.dma_semaphore, #tpu.memory_space<semaphore_mem>>)
    %dma_wait3A_461 = arith.constant 0 : i32
    %dma_wait3A_462 = arith.constant 0 : i32
    %dma_wait3A_463 = tpu.memref_slice %arg7[%dma_wait3A_461, %dma_wait3A_462] : memref<8192x1024xf32, #tpu.memory_space<hbm>> -> memref<8192x1024xf32, #tpu.memory_space<hbm>>
    tpu.wait_indirect_dma semaphore(%arg24 : memref<!tpu.dma_semaphore, #tpu.memory_space<semaphore_mem>>) src(%arg18 : memref<32x1024xf32, #tpu.memory_space<vmem>>) dst(%dma_wait3A_463 : memref<8192x1024xf32, #tpu.memory_space<hbm>>)
    %mul3A_464 = arith.constant 32 : i32
    %mul3A_465 = arith.muli %add3A, %mul3A_464 : i32
    %add3A_466 = arith.constant 1024 : i32
    %add3A_467 = arith.addi %add3A_466, %mul3A_465 : i32
    %dma_start3A_468 = arith.constant 0 : i32
    %dma_start3A_469 = tpu.memref_slice %arg6[%add3A_467, %dma_start3A_468] : memref<2048x1024xf32, #tpu.memory_space<hbm>> -> memref<32x1024xf32, #tpu.memory_space<hbm>>
    %dma_start3A_470 = arith.constant 0 : i32
    %dma_start3A_471 = tpu.memref_slice %arg6[%add3A_467, %dma_start3A_470] : memref<2048x1024xf32, #tpu.memory_space<hbm>> -> memref<32x1024xf32, #tpu.memory_space<hbm>>
    tpu.enqueue_dma source(%dma_start3A_471 : memref<32x1024xf32, #tpu.memory_space<hbm>>) target(%arg18 : memref<32x1024xf32, #tpu.memory_space<vmem>>) target_semaphore(%arg21 : memref<!tpu.dma_semaphore, #tpu.memory_space<semaphore_mem>>)
    %dma_wait3A_472 = arith.constant 0 : i32
    %dma_wait3A_473 = tpu.memref_slice %arg5[%add3A_448, %dma_wait3A_472] : memref<2048x1024xf32, #tpu.memory_space<hbm>> -> memref<32x1024xf32, #tpu.memory_space<hbm>>
    %dma_wait3A_474 = arith.constant 0 : i32
    %dma_wait3A_475 = tpu.memref_slice %arg5[%add3A_448, %dma_wait3A_474] : memref<2048x1024xf32, #tpu.memory_space<hbm>> -> memref<32x1024xf32, #tpu.memory_space<hbm>>
    tpu.wait_dma2 semaphore(%arg20 : memref<!tpu.dma_semaphore, #tpu.memory_space<semaphore_mem>>) src(%dma_wait3A_475 : memref<32x1024xf32, #tpu.memory_space<hbm>>) dst(%arg17 : memref<32x1024xf32, #tpu.memory_space<vmem>>)
    %mul3A_476 = arith.constant 32 : i32
    %mul3A_477 = arith.muli %add3A, %mul3A_476 : i32
    %add3A_478 = arith.constant 5096 : i32
    %add3A_479 = arith.addi %add3A_478, %mul3A_477 : i32
    %dma_start3A_480 = arith.constant 0 : i32
    %dma_start3A_481 = tpu.memref_slice %arg7[%add3A_479, %dma_start3A_480] : memref<8192x1024xf32, #tpu.memory_space<hbm>> -> memref<32x1024xf32, #tpu.memory_space<hbm>>
    %dma_start3A_482 = arith.constant 0 : i32
    %dma_start3A_483 = tpu.memref_slice %arg7[%add3A_479, %dma_start3A_482] : memref<8192x1024xf32, #tpu.memory_space<hbm>> -> memref<32x1024xf32, #tpu.memory_space<hbm>>
    tpu.enqueue_dma source(%arg17 : memref<32x1024xf32, #tpu.memory_space<vmem>>) target(%dma_start3A_483 : memref<32x1024xf32, #tpu.memory_space<hbm>>) target_semaphore(%arg23 : memref<!tpu.dma_semaphore, #tpu.memory_space<semaphore_mem>>)
    %dma_wait3A_484 = arith.constant 0 : i32
    %dma_wait3A_485 = arith.constant 0 : i32
    %dma_wait3A_486 = tpu.memref_slice %arg7[%dma_wait3A_484, %dma_wait3A_485] : memref<8192x1024xf32, #tpu.memory_space<hbm>> -> memref<8192x1024xf32, #tpu.memory_space<hbm>>
    tpu.wait_indirect_dma semaphore(%arg25 : memref<!tpu.dma_semaphore, #tpu.memory_space<semaphore_mem>>) src(%arg19 : memref<32x1024xf32, #tpu.memory_space<vmem>>) dst(%dma_wait3A_486 : memref<8192x1024xf32, #tpu.memory_space<hbm>>)
    %mul3A_487 = arith.constant 16 : i32
    %mul3A_488 = arith.muli %add3A, %mul3A_487 : i32
    %add3A_489 = arith.constant 512 : i32
    %add3A_490 = arith.addi %add3A_489, %mul3A_488 : i32
    %dma_start3A_491 = arith.constant 0 : i32
    %dma_start3A_492 = arith.constant 0 : i32
    %dma_start3A_493 = tpu.memref_slice %arg19[%dma_start3A_491, %dma_start3A_492] : memref<32x1024xf32, #tpu.memory_space<vmem>> -> memref<16x1024xf32, #tpu.memory_space<vmem>>
    %dma_start3A_494 = arith.constant 0 : i32
    %dma_start3A_495 = tpu.memref_slice %arg4[%add3A_490, %dma_start3A_494] : memref<1024x1024xf32, #tpu.memory_space<hbm>> -> memref<16x1024xf32, #tpu.memory_space<hbm>>
    %dma_start3A_496 = arith.constant 0 : i32
    %dma_start3A_497 = arith.constant 0 : i32
    %dma_start3A_498 = tpu.memref_slice %arg19[%dma_start3A_496, %dma_start3A_497] : memref<32x1024xf32, #tpu.memory_space<vmem>> -> memref<16x1024xf32, #tpu.memory_space<vmem>>
    %dma_start3A_499 = arith.constant 0 : i32
    %dma_start3A_500 = tpu.memref_slice %arg4[%add3A_490, %dma_start3A_499] : memref<1024x1024xf32, #tpu.memory_space<hbm>> -> memref<16x1024xf32, #tpu.memory_space<hbm>>
    tpu.enqueue_dma source(%dma_start3A_500 : memref<16x1024xf32, #tpu.memory_space<hbm>>) target(%dma_start3A_498 : memref<16x1024xf32, #tpu.memory_space<vmem>>) target_semaphore(%arg22 : memref<!tpu.dma_semaphore, #tpu.memory_space<semaphore_mem>>)
    %dma_wait3A_501 = arith.constant 0 : i32
    %dma_wait3A_502 = tpu.memref_slice %arg6[%add3A_467, %dma_wait3A_501] : memref<2048x1024xf32, #tpu.memory_space<hbm>> -> memref<32x1024xf32, #tpu.memory_space<hbm>>
    %dma_wait3A_503 = arith.constant 0 : i32
    %dma_wait3A_504 = tpu.memref_slice %arg6[%add3A_467, %dma_wait3A_503] : memref<2048x1024xf32, #tpu.memory_space<hbm>> -> memref<32x1024xf32, #tpu.memory_space<hbm>>
    tpu.wait_dma2 semaphore(%arg21 : memref<!tpu.dma_semaphore, #tpu.memory_space<semaphore_mem>>) src(%dma_wait3A_504 : memref<32x1024xf32, #tpu.memory_space<hbm>>) dst(%arg18 : memref<32x1024xf32, #tpu.memory_space<vmem>>)
    %dma_start3A_505 = arith.constant 0 : i32
    %dma_start3A_506 = arith.constant 0 : i32
    %dma_start3A_507 = tpu.memref_slice %arg7[%dma_start3A_505, %dma_start3A_506] : memref<8192x1024xf32, #tpu.memory_space<hbm>> -> memref<8192x1024xf32, #tpu.memory_space<hbm>>
    tpu.enqueue_indirect_dma source(%arg18 : memref<32x1024xf32, #tpu.memory_space<vmem>>) target(%dma_start3A_507 : memref<8192x1024xf32, #tpu.memory_space<hbm>>) offsets(%arg16 : memref<32xi32, #tpu.memory_space<vmem>>) semaphore(%arg24 : memref<!tpu.dma_semaphore, #tpu.memory_space<semaphore_mem>>)
    %dma_wait3A_508 = arith.constant 0 : i32
    %dma_wait3A_509 = arith.constant 0 : i32
    %dma_wait3A_510 = tpu.memref_slice %arg19[%dma_wait3A_508, %dma_wait3A_509] : memref<32x1024xf32, #tpu.memory_space<vmem>> -> memref<16x1024xf32, #tpu.memory_space<vmem>>
    %dma_wait3A_511 = arith.constant 0 : i32
    %dma_wait3A_512 = tpu.memref_slice %arg4[%add3A_490, %dma_wait3A_511] : memref<1024x1024xf32, #tpu.memory_space<hbm>> -> memref<16x1024xf32, #tpu.memory_space<hbm>>
    %dma_wait3A_513 = arith.constant 0 : i32
    %dma_wait3A_514 = arith.constant 0 : i32
    %dma_wait3A_515 = tpu.memref_slice %arg19[%dma_wait3A_513, %dma_wait3A_514] : memref<32x1024xf32, #tpu.memory_space<vmem>> -> memref<16x1024xf32, #tpu.memory_space<vmem>>
    %dma_wait3A_516 = arith.constant 0 : i32
    %dma_wait3A_517 = tpu.memref_slice %arg4[%add3A_490, %dma_wait3A_516] : memref<1024x1024xf32, #tpu.memory_space<hbm>> -> memref<16x1024xf32, #tpu.memory_space<hbm>>
    tpu.wait_dma2 semaphore(%arg22 : memref<!tpu.dma_semaphore, #tpu.memory_space<semaphore_mem>>) src(%dma_wait3A_517 : memref<16x1024xf32, #tpu.memory_space<hbm>>) dst(%dma_wait3A_515 : memref<16x1024xf32, #tpu.memory_space<vmem>>)
    %dma_start3A_518 = arith.constant 0 : i32
    %dma_start3A_519 = arith.constant 0 : i32
    %dma_start3A_520 = tpu.memref_slice %arg19[%dma_start3A_518, %dma_start3A_519] : memref<32x1024xf32, #tpu.memory_space<vmem>> -> memref<16x1024xf32, #tpu.memory_space<vmem>>
    %dma_start3A_521 = arith.constant 0 : i32
    %dma_start3A_522 = arith.constant 0 : i32
    %dma_start3A_523 = tpu.memref_slice %arg7[%dma_start3A_521, %dma_start3A_522] : memref<8192x1024xf32, #tpu.memory_space<hbm>> -> memref<8192x1024xf32, #tpu.memory_space<hbm>>
    tpu.enqueue_indirect_dma source(%dma_start3A_520 : memref<16x1024xf32, #tpu.memory_space<vmem>>) target(%dma_start3A_523 : memref<8192x1024xf32, #tpu.memory_space<hbm>>) offsets(%arg14 : memref<16xi32, #tpu.memory_space<vmem>>) semaphore(%arg25 : memref<!tpu.dma_semaphore, #tpu.memory_space<semaphore_mem>>)
    %dma_wait3A_524 = arith.constant 0 : i32
    %dma_wait3A_525 = tpu.memref_slice %arg7[%add3A_479, %dma_wait3A_524] : memref<8192x1024xf32, #tpu.memory_space<hbm>> -> memref<32x1024xf32, #tpu.memory_space<hbm>>
    %dma_wait3A_526 = arith.constant 0 : i32
    %dma_wait3A_527 = tpu.memref_slice %arg7[%add3A_479, %dma_wait3A_526] : memref<8192x1024xf32, #tpu.memory_space<hbm>> -> memref<32x1024xf32, #tpu.memory_space<hbm>>
    tpu.wait_dma2 semaphore(%arg23 : memref<!tpu.dma_semaphore, #tpu.memory_space<semaphore_mem>>) src(%arg17 : memref<32x1024xf32, #tpu.memory_space<vmem>>) dst(%dma_wait3A_527 : memref<32x1024xf32, #tpu.memory_space<hbm>>)
    %dma_wait3A_528 = arith.constant 0 : i32
    %dma_wait3A_529 = arith.constant 0 : i32
    %dma_wait3A_530 = tpu.memref_slice %arg7[%dma_wait3A_528, %dma_wait3A_529] : memref<8192x1024xf32, #tpu.memory_space<hbm>> -> memref<8192x1024xf32, #tpu.memory_space<hbm>>
    tpu.wait_indirect_dma semaphore(%arg24 : memref<!tpu.dma_semaphore, #tpu.memory_space<semaphore_mem>>) src(%arg18 : memref<32x1024xf32, #tpu.memory_space<vmem>>) dst(%dma_wait3A_530 : memref<8192x1024xf32, #tpu.memory_space<hbm>>)
    %dma_wait3A_531 = arith.constant 0 : i32
    %dma_wait3A_532 = arith.constant 0 : i32
    %dma_wait3A_533 = tpu.memref_slice %arg19[%dma_wait3A_531, %dma_wait3A_532] : memref<32x1024xf32, #tpu.memory_space<vmem>> -> memref<16x1024xf32, #tpu.memory_space<vmem>>
    %dma_wait3A_534 = arith.constant 0 : i32
    %dma_wait3A_535 = arith.constant 0 : i32
    %dma_wait3A_536 = tpu.memref_slice %arg7[%dma_wait3A_534, %dma_wait3A_535] : memref<8192x1024xf32, #tpu.memory_space<hbm>> -> memref<8192x1024xf32, #tpu.memory_space<hbm>>
    tpu.wait_indirect_dma semaphore(%arg25 : memref<!tpu.dma_semaphore, #tpu.memory_space<semaphore_mem>>) src(%dma_wait3A_533 : memref<16x1024xf32, #tpu.memory_space<vmem>>) dst(%dma_wait3A_536 : memref<8192x1024xf32, #tpu.memory_space<hbm>>)
    return
  }
}

</mosaic_0001>

<sc_bundles>
// kernel: kernel.3.cloned.1.call-start
scs
__scs_entry_jumppad:
0x0: {  	(pc) =	sbr.rel $0x88, $3  }
0x1: {  	(tag) =	ssettag $0x0;
	lr =	simm.s32 $0x1  }
0x2: {  	[smem:$0x3F9C] =	sst lr;
	_ =	strace $0xD0000000  }
0x3: {  	_ = 	snop  }
0x4: {  	_ = 	snop  }
0x5: {  	_ = 	snop  }
0x6: {  	_ = 	snop  }
0x7: {  	_ = 	snop  }
__scs_overlays_trampoline_lowered:
0x8: {  	[smem:$0x3FAB] =	sst s0  }
0x9: {  	[smem:$0x3FAC] =	sst s1  }
0xa: {  	[smem:$0x3FAD] =	sst s2  }
0xb: {  	[smem:$0x3FAE] =	sst s3  }
0xc: {  	[smem:$0x3FAF] =	sst s4  }
0xd: {  	[smem:$0x3FB0] =	sst s5  }
0xe: {  	[smem:$0x3FB1] =	sst s6  }
0xf: {  	[smem:$0x3FB2] =	sst s7  }
0x10: {  	[smem:$0x3FB3] =	sst s8  }
0x11: {  	[smem:$0x3FB4] =	sst s9;
	s0 =	simm.s32 @!p0 $0x0  }
0x12: {  	s1 =	sld [smem:$0x3F9A];
	s0 =	simm.s32 @p0 $0x1  }
0x13: {  	[smem:$0x3FB5] =	sst s0;
	s0 =	simm.s32 @!p1 $0x0  }
0x14: {  	s2 =	sld [smem:$0x3F99];
	s0 =	simm.s32 @p1 $0x1  }
0x15: {  	[smem:$0x3FB6] =	sst s0;
	s0 =	simm.s32 @!p2 $0x0  }
0x16: {  	s3 =	sld [smem:$0x3FDB];
	s0 =	simm.s32 @p2 $0x1  }
0x17: {  	s4 =	simm.s32 $0x1BF5;
	[smem:$0x3FB8] =	sst s0  }
0x18: {  	s0 =	sld [smem:$0x3F9B];
	_ =	swait.ge [sflag:s4], $0x0  }
0x19: {  	s7 =	sld [smem:$0x3F9C]  }
0x1a: {  	s8 =	sadd.s32 $0xFFFFE003, lr  }
0x1b: {  	s9 =	sadd.s32 $0xFFFFFEF7, lr;
	s5 =	simm.s32 $0xFFFFFFFF;
	p2 =	slt.u32 s8, $0xFFFFF086  }
0x1c: {  	p1 =	slt.u32 s9, $0xF7A;
	s5 =	simm.s32 @!p2 $0x0  }
0x1d: {  	s5 =	simm.s32 @p1 $0x1;
	p0 =	seq.s32 s7, s2  }
0x1e: {  	s7 =	smul.u32 @!p0 $0xF7A, s2;
	p2 =	seq.s32 @!p0 s5, $0x0  }
0x1f: {  	s9 =	smul.u32 $0xF7A, s1;
	s8 =	simm.s32 @!p0 $0x1BF5;
	p2 =	por !p2, p0  }
0x20: {  	[sflag:s8] =	ssyncset.s32 @!p0 $0xFFFFF086;
	s6 =	sadd.s32 @!p0 s3, s7;
	s7 =	simm.s32 @!p0 $0x108  }
0x21: {  	s3 =	sadd.s32 s3, s9;
	s6 =	sadd.s32 @!p0 $0x88, s6;
	s7 =	simm.s32 @p2 $0x1082  }
0x22: {  	[simem:s7], [sflag:s8] =	dma.local @!p0 [hbm:s6], $0xF7A  }
0x23: {  	s9 =	sor.u32 $0xD0000000, s2;
	s6 =	simm.s32 $0x108;
	_ =	swait.ge @!p0 [sflag:s8], $0x0  }
0x24: {  	s3 =	sadd.s32 $0x88, s3;
	s6 =	simm.s32 @!p1 $0x1082;
	[sflag:s4] =	ssyncset.s32 $0xFFFFF086  }
0x25: {  	[simem:s6], [sflag:s4] =	dma.local [hbm:s3], $0xF7A  }
0x26: {  	[smem:$0x3F9C] =	sst s1;
	(tag) =	ssettag s2;
	_ =	strace s9  }
0x27: {  	s1 =	sld [smem:$0x3FAC]  }
0x28: {  	s2 =	sld [smem:$0x3FAD]  }
0x29: {  	s4 =	sld [smem:$0x3FAF]  }
0x2a: {  	p0 =	seq.s32 s5, $0x0;
	s5 =	sld [smem:$0x3FB0]  }
0x2b: {  	s6 =	sld [smem:$0x3FB1]  }
0x2c: {  	s7 =	sld [smem:$0x3FB2]  }
0x2d: {  	s3 =	simm.s32 $0x108;
	s8 =	sld [smem:$0x3FB3]  }
0x2e: {  	s3 =	simm.s32 @!p0 $0x1082;
	s9 =	sld [smem:$0x3FB4]  }
0x2f: {  	lr =	sadd.s32 s0, s3;
	s0 =	sld [smem:$0x3FAB]  }
0x30: {  	s3 =	sld [smem:$0x3FAE]  }
0x31: {  	[smem:$0x3FB7] =	sst s10  }
0x32: {  	s10 =	sld [smem:$0x3FB5];
	_ =	sdelay $0x3  }
0x33: {  	p0 =	seq.s32 s10, $0x1;
	s10 =	sld [smem:$0x3FB7];
	_ =	sdelay $0x3  }
0x34: {  	[smem:$0x3FB7] =	sst s10  }
0x35: {  	s10 =	sld [smem:$0x3FB6];
	_ =	sdelay $0x3  }
0x36: {  	p1 =	seq.s32 s10, $0x1;
	s10 =	sld [smem:$0x3FB7];
	_ =	sdelay $0x3  }
0x37: {  	[smem:$0x3FB7] =	sst s10  }
0x38: {  	s10 =	sld [smem:$0x3FB8]  }
0x39: {  	_ = 	snop;
	(pc) =	sbr.ind lr, $3  }
0x3a: {  	_ = 	snop  }
0x3b: {  	_ = 	snop  }
0x3c: {  	p2 =	seq.s32 s10, $0x1;
	s10 =	sld [smem:$0x3FB7]  }
0x3d: {  	_ =	shalt  }
0x3e: {  	_ =	shalt  }
0x3f: {  	_ =	shalt  }
0x40: {  	_ =	shalt  }
0x41: {  	_ =	shalt  }
0x42: {  	_ =	shalt  }
0x43: {  	_ =	shalt  }
0x44: {  	_ =	shalt  }
0x45: {  	_ =	shalt  }
0x46: {  	_ =	shalt  }
0x47: {  	_ =	shalt  }
0x48: {  	_ =	shalt  }
0x49: {  	_ =	shalt  }
0x4a: {  	_ =	shalt  }
0x4b: {  	_ =	shalt  }
0x4c: {  	_ =	shalt  }
0x4d: {  	_ =	shalt  }
0x4e: {  	_ =	shalt  }
0x4f: {  	_ =	shalt  }
0x50: {  	_ =	shalt  }
0x51: {  	_ =	shalt  }
0x52: {  	_ =	shalt  }
0x53: {  	_ =	shalt  }
0x54: {  	_ =	shalt  }
0x55: {  	_ =	shalt  }
0x56: {  	_ =	shalt  }
0x57: {  	_ =	shalt  }
0x58: {  	_ =	shalt  }
0x59: {  	_ =	shalt  }
0x5a: {  	_ =	shalt  }
0x5b: {  	_ =	shalt  }
0x5c: {  	_ =	shalt  }
0x5d: {  	_ =	shalt  }
0x5e: {  	_ =	shalt  }
0x5f: {  	_ =	shalt  }
0x60: {  	_ =	shalt  }
0x61: {  	_ =	shalt  }
0x62: {  	_ =	shalt  }
0x63: {  	_ =	shalt  }
0x64: {  	_ =	shalt  }
0x65: {  	_ =	shalt  }
0x66: {  	_ =	shalt  }
0x67: {  	_ =	shalt  }
0x68: {  	_ =	shalt  }
0x69: {  	_ =	shalt  }
0x6a: {  	_ =	shalt  }
0x6b: {  	_ =	shalt  }
0x6c: {  	_ =	shalt  }
0x6d: {  	_ =	shalt  }
0x6e: {  	_ =	shalt  }
0x6f: {  	_ =	shalt  }
0x70: {  	_ =	shalt  }
0x71: {  	_ =	shalt  }
0x72: {  	_ =	shalt  }
0x73: {  	_ =	shalt  }
0x74: {  	_ =	shalt  }
0x75: {  	_ =	shalt  }
0x76: {  	_ =	shalt  }
0x77: {  	_ =	shalt  }
0x78: {  	_ =	shalt  }
0x79: {  	_ =	shalt  }
0x7a: {  	_ =	shalt  }
0x7b: {  	_ =	shalt  }
0x7c: {  	_ =	shalt  }
0x7d: {  	_ =	shalt  }
0x7e: {  	_ =	shalt  }
0x7f: {  	_ =	shalt  }
0x80: {  	_ =	shalt  }
0x81: {  	_ =	shalt  }
0x82: {  	_ =	shalt  }
0x83: {  	_ =	shalt  }
0x84: {  	_ =	shalt  }
0x85: {  	_ =	shalt  }
0x86: {  	_ =	shalt  }
0x87: {  	_ =	shalt  }
.Lfunc_end0:
.L_simem_size_0:
called_computation_lowered:
.L_overlay_start_0:
0x88: {  	s2 =	sld [smem:$0x3FD9]  }
0x89: {  	s3 =	sld [smem:$0x3FFE];
	_ =	sdelay $0x1  }
0x8a: {  	s1 =	srdreg.scid  }
0x8b: {  	s0 =	sand.u32 $0x1, s1  }
0x8c: {  	s17 =	sshll.u32 s0, $0xA;
	s2 =	sadd.s32 s3, s2  }
0x8d: {  	s2 =	sadd.s32 s2, s17  }
0x8e: {  	[smem:$0x3FC3] =	sst s2  }
0x8f: {  	_ = 	snop  }
0x90: {  	s2 =	sld [smem:$0x3FC9]  }
0x91: {  	s18 =	sld [smem:$0x3FC8]  }
0x92: {  	s4 =	sld [smem:$0x3FC7]  }
0x93: {  	s5 =	sld [smem:$0x3FC6]  }
0x94: {  	s6 =	sld [smem:$0x3FD0];
	(tm) =	ssettm $0x1  }
0x95: {  	s7 =	sld [smem:$0x3FFB];
	_ =	sdelay $0x3  }
0x96: {  	_ =	strace s7  }
0x97: {  	s7 =	sld [smem:$0x3FFC];
	_ =	sdelay $0x3  }
0x98: {  	_ =	strace s7  }
0x99: {  	s7 =	sld [smem:$0x3FFD];
	_ =	sdelay $0x3  }
0x9a: {  	_ =	strace s7  }
0x9b: {  	_ =	strace $0x8FFFFFFF  }
0x9c: {  	s19 =	sld [smem:$0x3FDB];
	_ =	sdelay $0x1  }
0x9d: {  	s8 =	simm.s32 $_scs_section_size  }
0x9e: {  	s9 =	simm.s32 $_size__tile_overlayer_lowered;
	s10 =	simm.s32 $_tile_overlayer_lowered  }
0x9f: {  	s22 =	simm.s32 $0x1BFF;
	s21 =	sshll.u32 s10, $0x1;
	s7 =	sadd.s32 s8, s19  }
0xa0: {  	s11 =	simm.s32 $0x0;
	s20 =	sshll.u32 s9, $0x1;
	s9 =	sadd.s32 s21, s7  }
0xa1: {  	[timem:s11], [sflag:s22] =	dma.local [hbm:s9], s20  }
0xa2: {  	_ =	swait.ge [sflag:s22], s20  }
0xa3: {  	s8 =	ssub.s32 $0x0, s20;
	[sflag:s22] =	ssyncset.done $0x0  }
0xa4: {  	[sflag:s22] =	ssyncadd.s32 s8;
	_ =	sdelay $0x1  }
0xa5: {  	s23 =	simm.s32 $0x1B8B  }
0xa6: {  	_ =	swait.ge [sflag:s23], $0x1  }
0xa7: {  	[sflag:s23] =	ssyncset.done $0x0  }
0xa8: {  	s25 =	simm.s32 $0x1B8E;
	s24 =	sld [smem:$0x3FFE];
	[sflag:s23] =	ssyncadd.s32 $0xFFFFFFFF  }
0xa9: {  	s26 =	simm.s32 $execute0_lowered;
	[smem:$0x3FD2] =	sst s25  }
0xaa: {  	s9 =	sshll.u32 s26, $0x1;
	_ =	strace $0x80000046;
	[dreg:$0x1] =	wrdreg $0xFFFFFFFF  }
0xab: {  	s28 =	simm.s32 $_size_execute0_lowered;
	s7 =	sadd.s32 s7, s9;
	[dreg:$0x0] =	wrdreg $0x0  }
0xac: {  	s9 =	sshll.u32 s28, $0x1;
	[dreg:$0x2] =	wrdreg s7  }
0xad: {  	[dreg:$0x3] =	wrdreg s9  }
0xae: {  	[dreg:$0x4] =	wrdreg $0xC0  }
0xaf: {  	_ =	task [dreg:s11], $0x5FFFF  }
0xb0: {  	[dreg:$0x1] =	wrdreg $0xFFFFFFFF  }
0xb1: {  	[dreg:$0x0] =	wrdreg $0x60  }
0xb2: {  	[dreg:$0x2] =	wrdreg s2  }
0xb3: {  	[dreg:$0x3] =	wrdreg s24  }
0xb4: {  	[dreg:$0x4] =	wrdreg s18  }
0xb5: {  	[dreg:$0x5] =	wrdreg s4  }
0xb6: {  	[dreg:$0x6] =	wrdreg s5  }
0xb7: {  	[dreg:$0x7] =	wrdreg s6  }
0xb8: {  	[dreg:$0x8] =	wrdreg $0x9  }
0xb9: {  	_ =	task.clear_ibuf [dreg:s11], $0x9FFFF;
	_ =	strace $0x90000046  }
0xba: {  	s29 =	simm.s32 $0x9;
	_ =	strace $0x80000048  }
0xbb: {  	_ =	swait.ge [sflag:s29], $0x1  }
0xbc: {  	[sflag:s29] =	ssyncadd.s32 $0xFFFFFFFF  }
0xbd: {  	_ =	strace $0x90000048  }
0xbe: {  	_ =	sfence  }
0xbf: {  	s30 =	sld [smem:$0x0];
	_ =	sdelay $0x2  }
0xc0: {  	s31 =	sshll.u32 s1, $0xD;
	s1 =	sshrl.u32 s1, $0x2  }
0xc1: {  	s3 =	sand.u32 $0x4000, s31;
	s1 =	sadd.s32 s1, s30  }
0xc2: {  	s0 =	sor.u32 s3, s0;
	s1 =	sshll.u32 s1, $0x11  }
0xc3: {  	s0 =	sor.u32 s1, s0  }
0xc4: {  	s0 =	sadd.s32 $0x8F2B, s0  }
0xc5: {  	[sflag:s0] =	ssyncadd.remote.s32 $0x1  }
0xc6: {  	_ =	sfence.sel $0xFFFF  }
0xc7: {  	[dreg:$0x0] =	wrdreg $0xFFFFFFFF;
	(pc) =	sbr.abs _section_cstart, $3  }
0xc8: {  	[dreg:$0x1] =	wrdreg $0xFFFFFFFF  }
0xc9: {  	_ =	task.clear_ibuf [dreg:s11], $0x2FFFF;
	_ =	strace $0x9FFFFFFF  }
0xca: {  	(tm) =	ssettm $0x7FFFFFFF  }
0xcb: {  	_ =	shalt  }
tec
execute0_lowered:
.L_overlay_start_1:
0x0: {  	(tag) =	ssettag $0x1  }
0x1: {  	s1 =	rddreg [dreg:$0x0]  }
0x2: {  	s0 =	rddreg [dreg:$0x1]  }
0x3: {  	s6 =	rddreg [dreg:$0x2]  }
0x4: {  	s7 =	rddreg [dreg:$0x3]  }
0x5: {  	s8 =	rddreg [dreg:$0x4]  }
0x6: {  	s2 =	rddreg [dreg:$0x5]  }
0x7: {  	s4 =	simm.s32 $0x0;
	s3 =	srdreg.scid;
	s11 =	stileid.u32  }
0x8: {  	[smem:$0x7FF] =	sst s4;
	s3 =	sand.u32 $0x1, s3;
	s5 =	sshll.u32 s11, $0x1  }
0x9: {  	s0 =	sadd.s32 $0x400, s0;
	p0 =	sgt.u32 s11, $0x7;
	s10 =	sor.u32 s3, s5  }
0xa: {  	s9 =	ssub.s32 $0x2, s3;
	s5 =	simm.s32 $0xFFFFFA00;
	s3 =	smul.u32 $0x60, s10  }
0xb: {  	_ =	strace $0x80000047;
	s5 =	simm.s32 @!p0 $0x0;
	s14 =	sshll.u32 s10, $0x5  }
0xc: {  	v14 =	vlaneseq.u32;
	[dreg:$0x7] =	wrdreg s0;
	s25 =	sadd.s32 $0x19C4, s14;
	s29 =	sadd.s32 s5, s3  }
0xd: {  	v11 =	vimm.s32 $0x0;
	s17 =	sadd.s32 $0x9C4, s14;
	s18 =	sadd.s32 $0x9D4, s14;
	s14 =	sadd.s32 $0x19D4, s14;
	v5 =	vadd.s32 s25, v14;
	v0 =	vor.u32 s29, v14  }
0xe: {  	v6 =	vadd.s32 s14, v14;
	s30 =	sor.u32 $0x10, s29;
	s13 =	sadd.s32 $0x20, s29;
	s5 =	sadd.s32 $0x30, s29;
	vm0 =	vgt.s32 v0, $0x63;
	vm1 =	vgt.s32 v0, $0x1E7  }
0xf: {  	s0 =	simm.s32 $0x1000;
	s19 =	sadd.s32 $0x40, s29;
	s20 =	sadd.s32 $0x50, s29;
	v3 =	vor.u32 s30, v14;
	v9 =	vor.u32 s13, v14;
	v13 =	vor.u32 s5, v14  }
0x10: {  	s0 =	simm.s32 @!p0 $0x0;
	v15 =	vor.u32 s19, v14;
	v16 =	vor.u32 s20, v14;
	v1 =	vsel vm0, $0x200, v11  }
0x11: {  	v2 =	vsel vm1, $0x400, v11;
	vm0 =	vgt.s32 v0, $0x3C3;
	v0 =	vadd.s32 s0, v0  }
0x12: {  	v12 =	vadd.s32 s0, v9;
	v17 =	vadd.s32 s0, v13;
	v18 =	vadd.s32 s0, v15  }
0x13: {  	v19 =	vadd.s32 s0, v16;
	v4 =	vsel vm0, $0x400, v11;
	v0 =	vadd.s32 v2, v0  }
0x14: {  	vm0 =	vgt.s32 v3, $0x63;
	v2 =	vadd.s32 s0, v3;
	v0 =	vadd.s32 v1, v0  }
0x15: {  	s31 =	sshll.u32 s10, $0x4;
	v7 =	vsel vm0, $0x200, v11;
	vm0 =	vgt.s32 v3, $0x1E7;
	v0 =	vadd.s32 v4, v0  }
0x16: {  	s3 =	sadd.s32 $0x1064, s31;
	v1 =	vsel vm0, $0x400, v11;
	vm0 =	vgt.s32 v3, $0x3C3;
	v3 =	vadd.s32 s18, v14  }
0x17: {  	s16 =	sadd.s32 $0x64, s31;
	v4 =	vadd.s32 s3, v14;
	v8 =	vsel vm0, $0x400, v11;
	v10 =	vadd.s32 v1, v2  }
0x18: {  	vm0 =	vgt.s32 v9, $0x63;
	v1 =	vadd.s32 s16, v14;
	v2 =	vadd.s32 s17, v14  }
0x19: {  	v7 =	vadd.s32 v7, v10;
	v10 =	vsel vm0, $0x200, v11;
	vm0 =	vgt.s32 v9, $0x1E7  }
0x1a: {  	v7 =	vadd.s32 v8, v7;
	v8 =	vsel vm0, $0x400, v11;
	vm0 =	vgt.s32 v9, $0x3C3  }
0x1b: {  	s21 =	sshll.u32 s10, $0xC;
	v8 =	vadd.s32 v8, v12;
	v9 =	vsel vm0, $0x400, v11;
	vm0 =	vgt.s32 v13, $0x63  }
0x1c: {  	s11 =	sadd.s32 $0x300, s2;
	s28 =	sshrl.u32 s9, $0x1;
	s22 =	sadd.s32 s7, s21;
	v8 =	vadd.s32 v10, v8;
	v10 =	vsel vm0, $0x200, v11;
	vm0 =	vgt.s32 v13, $0x1E7  }
0x1d: {  	s10 =	sshll.u32 s10, $0xB;
	s15 =	sadd.s32 s8, s21;
	[dreg:$0x8] =	wrdreg s22;
	v8 =	vadd.s32 v9, v8;
	v9 =	vsel vm0, $0x400, v11;
	vm0 =	vgt.s32 v13, $0x3C3  }
0x1e: {  	s23 =	sadd.s32 s2, s21;
	s24 =	sadd.s32 s6, s10;
	[dreg:$0xa] =	wrdreg s15;
	v9 =	vadd.s32 v9, v17;
	v12 =	vsel vm0, $0x400, v11;
	vm0 =	vgt.s32 v15, $0x63  }
0x1f: {  	s21 =	sor.u32 $0x20000, s21;
	s10 =	sadd.s32 $0x1F400, s23;
	[dreg:$0x11] =	wrdreg s24;
	v9 =	vadd.s32 v10, v9;
	v10 =	vsel vm0, $0x200, v11;
	vm0 =	vgt.s32 v15, $0x1E7  }
0x20: {  	s12 =	ssub.s32 s9, s28;
	s22 =	sadd.s32 s7, s21;
	[dreg:$0x9] =	wrdreg s10;
	v9 =	vadd.s32 v12, v9;
	v12 =	vsel vm0, $0x400, v11;
	vm0 =	vgt.s32 v15, $0x3C3  }
0x21: {  	s6 =	sadd.s32 $0x100, s1;
	s26 =	sadd.s32 s8, s21;
	[dreg:$0xb] =	wrdreg s22;
	v13 =	vsel vm0, $0x400, v11;
	v12 =	vadd.s32 v12, v18;
	vm0 =	vgt.s32 v16, $0x1E7  }
0x22: {  	s9 =	sadd.s32 $0x100, s2;
	s28 =	sadd.s32 $0x9F400, s23;
	[dreg:$0xc] =	wrdreg s26;
	v10 =	vadd.s32 v10, v12;
	v12 =	vsel vm0, $0x400, v11;
	vm0 =	vgt.s32 v16, $0x63  }
0x23: {  	s7 =	sadd.s32 $0x200, s1;
	s31 =	simm.s32 $0x80;
	[dreg:$0xd] =	wrdreg s28;
	v15 =	vsel vm0, $0x200, v11;
	vm0 =	vgt.s32 v16, $0x3C3;
	v12 =	vadd.s32 v12, v19  }
0x24: {  	s8 =	sadd.s32 $0x300, s1;
	s29 =	sadd.s32 $0x10000, s24;
	[dreg:$0x10] =	wrdreg s31;
	v10 =	vadd.s32 v13, v10;
	v13 =	vshrl.u32 v14, $0x3;
	v11 =	vsel vm0, $0x400, v11  }
0x25: {  	s1 =	smax.u32 s12, $0x1;
	[dreg:$0xe] =	wrdreg s29;
	s30 =	simm.s32 $0x60;
	v12 =	vadd.s32 v15, v12;
	v13 =	vmul.u32 $0x8, v13;
	vm0 =	vmmov $0xffff  }
0x26: {  	s10 =	sadd.s32 $0x200, s2;
	s13 =	simm.s32 $0x2;
	[dreg:$0xf] =	wrdreg s30;
	v11 =	vadd.s32 v11, v12;
	v12 =	vand.u32 $0x7, v14;
	v14 =	vor.u32 $0x8, v14  }
.LBB2_1:
0x27: {  	[tilespmem:$0x100] =	vst v0  }
0x28: {  	[tilespmem:$0x0] =	vst v0  }
0x29: {  	[tilespmem:$0x110] =	vst v7  }
0x2a: {  	[tilespmem:$0x10] =	vst v7  }
0x2b: {  	[tilespmem:$0x180] =	vst v8  }
0x2c: {  	[tilespmem:$0x20] =	vst v8  }
0x2d: {  	[tilespmem:$0x190] =	vst v9  }
0x2e: {  	[tilespmem:$0x30] =	vst v9  }
0x2f: {  	[tilespmem:$0x200] =	vst v10  }
0x30: {  	s19 =	rddreg [dreg:$0x7];
	[tilespmem:$0x40] =	vst v10  }
0x31: {  	s20 =	rddreg [dreg:$0xf];
	[tilespmem:$0x210] =	vst v11  }
0x32: {  	s21 =	rddreg [dreg:$0x10];
	[tilespmem:$0x50] =	vst v11  }
0x33: {  	[tilespmem:s21], [sflag:$0x7] =	stream.indirect.gather [hbm4b:s19+s20], $0x1, s4, s20, $0xb8;
	[tilespmem:$0x18480] =	vst v63  }
0x34: {  	[tilespmem:$0x280] =	vst v1  }
0x35: {  	[tilespmem:$0x380] =	vst v2  }
0x36: {  	[tilespmem:$0x390] =	vst v3  }
0x37: {  	[tilespmem:$0x300] =	vst v4  }
0x38: {  	[dreg:$0x12] =	wrdreg s1;
	[tilespmem:$0x400] =	vst v5  }
0x39: {  	s18 =	rddreg [dreg:$0x11];
	s0 =	simm.s32 $0x480;
	s20 =	simm.s32 $0x7;
	[tilespmem:$0x410] =	vst v6  }
0x3a: {  	[tilespmem:s0], [sflag:$0x1] =	stream.linear.gather [hbm4b:s18+s4], $0x4000, $0x38;
	[tilespmem:$0x18480] =	vst v63  }
0x3b: {  	_ =	swait.ge [sflag:s20], $0x60  }
0x3c: {  	[sflag:s20] =	ssyncset.done $0x0  }
0x3d: {  	[sflag:s20] =	ssyncadd.s32 $0xFFFFFFA0  }
0x3e: {  	v15 =	vld [tilespmem:$0x80];
	_ =	sdelay $0x4  }
0x3f: {  	v16 =	vshll.u32 v15, $0x3  }
0x40: {  	v15 =	vand.u32 $0x7, v15;
	v16 =	vand.u32 $0xFFFFFFC0, v16  }
0x41: {  	v15 =	vor.u32 v15, v16  }
0x42: {  	v16 =	vperm.xlane v15, v12;
	_ =	sdelay $0x1  }
0x43: {  	v16 =	vadd.s32 v13, v16;
	_ =	sdelay $0x3  }
0x44: {  	s21 =	simm.s32 $0x8480;
	s16 =	rddreg [dreg:$0x0]  }
0x45: {  	[tilespmem:s21], [sflag:$0x2] =	stream.indirect_vreg.gather [hbm4b:s16+s4], $0x80, v16, vm0, $0xb8;
	[tilespmem:$0x18480] =	vst v63  }
0x46: {  	s22 =	simm.s32 $0x8C80;
	v15 =	vperm.xlane v15, v14  }
0x47: {  	[tilespmem:s22], [sflag:$0x2] =	stream.indirect_vreg.gather [hbm4b:s6+s4], $0x80, v16, vm0, $0xb8;
	[tilespmem:$0x18480] =	vst v63  }
0x48: {  	s23 =	simm.s32 $0x9480;
	v15 =	vadd.s32 v13, v15  }
0x49: {  	[tilespmem:s23], [sflag:$0x2] =	stream.indirect_vreg.gather [hbm4b:s7+s4], $0x80, v16, vm0, $0xb8;
	[tilespmem:$0x18480] =	vst v63  }
0x4a: {  	s24 =	simm.s32 $0x9C80  }
0x4b: {  	[tilespmem:s24], [sflag:$0x2] =	stream.indirect_vreg.gather [hbm4b:s8+s4], $0x80, v16, vm0, $0xb8;
	[tilespmem:$0x18480] =	vst v63  }
0x4c: {  	s25 =	simm.s32 $0xA480  }
0x4d: {  	[tilespmem:s25], [sflag:$0x2] =	stream.indirect_vreg.gather [hbm4b:s16+s4], $0x80, v15, vm0, $0xb8;
	[tilespmem:$0x18480] =	vst v63  }
0x4e: {  	s26 =	simm.s32 $0xAC80  }
0x4f: {  	[tilespmem:s26], [sflag:$0x2] =	stream.indirect_vreg.gather [hbm4b:s6+s4], $0x80, v15, vm0, $0xb8;
	[tilespmem:$0x18480] =	vst v63  }
0x50: {  	s28 =	simm.s32 $0xB480  }
0x51: {  	[tilespmem:s28], [sflag:$0x2] =	stream.indirect_vreg.gather [hbm4b:s7+s4], $0x80, v15, vm0, $0xb8;
	[tilespmem:$0x18480] =	vst v63  }
0x52: {  	s29 =	simm.s32 $0xBC80  }
0x53: {  	[tilespmem:s29], [sflag:$0x2] =	stream.indirect_vreg.gather [hbm4b:s8+s4], $0x80, v15, vm0, $0xb8;
	[tilespmem:$0x18480] =	vst v63  }
0x54: {  	v15 =	vld [tilespmem:$0x90];
	_ =	sdelay $0x4  }
0x55: {  	v47 =	vshll.u32 v15, $0x3  }
0x56: {  	v15 =	vand.u32 $0x7, v15;
	v16 =	vand.u32 $0xFFFFFFC0, v47  }
0x57: {  	v15 =	vor.u32 v15, v16  }
0x58: {  	v16 =	vperm.xlane v15, v12;
	_ =	sdelay $0x1  }
0x59: {  	v16 =	vadd.s32 v13, v16;
	_ =	sdelay $0x3  }
0x5a: {  	s30 =	simm.s32 $0xC480  }
0x5b: {  	[tilespmem:s30], [sflag:$0x2] =	stream.indirect_vreg.gather [hbm4b:s16+s4], $0x80, v16, vm0, $0xb8;
	[tilespmem:$0x18480] =	vst v63  }
0x5c: {  	s31 =	simm.s32 $0xCC80;
	v15 =	vperm.xlane v15, v14  }
0x5d: {  	[tilespmem:s31], [sflag:$0x2] =	stream.indirect_vreg.gather [hbm4b:s6+s4], $0x80, v16, vm0, $0xb8;
	[tilespmem:$0x18480] =	vst v63  }
0x5e: {  	s1 =	simm.s32 $0xD480;
	v15 =	vadd.s32 v13, v15  }
0x5f: {  	[tilespmem:s1], [sflag:$0x2] =	stream.indirect_vreg.gather [hbm4b:s7+s4], $0x80, v16, vm0, $0xb8;
	[tilespmem:$0x18480] =	vst v63  }
0x60: {  	s14 =	simm.s32 $0xDC80  }
0x61: {  	[tilespmem:s14], [sflag:$0x2] =	stream.indirect_vreg.gather [hbm4b:s8+s4], $0x80, v16, vm0, $0xb8;
	[tilespmem:$0x18480] =	vst v63  }
0x62: {  	s19 =	simm.s32 $0xE480  }
0x63: {  	[tilespmem:s19], [sflag:$0x2] =	stream.indirect_vreg.gather [hbm4b:s16+s4], $0x80, v15, vm0, $0xb8;
	[tilespmem:$0x18480] =	vst v63  }
0x64: {  	s22 =	simm.s32 $0xEC80  }
0x65: {  	[tilespmem:s22], [sflag:$0x2] =	stream.indirect_vreg.gather [hbm4b:s6+s4], $0x80, v15, vm0, $0xb8;
	[tilespmem:$0x18480] =	vst v63  }
0x66: {  	s23 =	simm.s32 $0xF480  }
0x67: {  	[tilespmem:s23], [sflag:$0x2] =	stream.indirect_vreg.gather [hbm4b:s7+s4], $0x80, v15, vm0, $0xb8;
	[tilespmem:$0x18480] =	vst v63  }
0x68: {  	s24 =	simm.s32 $0xFC80;
	s14 =	simm.s32 $0x1  }
0x69: {  	[tilespmem:s24], [sflag:$0x2] =	stream.indirect_vreg.gather [hbm4b:s8+s4], $0x80, v15, vm0, $0xb8;
	[tilespmem:$0x18480] =	vst v63  }
0x6a: {  	_ =	swait.ge [sflag:s14], $0x4000  }
0x6b: {  	[sflag:s14] =	ssyncset.done $0x0  }
0x6c: {  	[sflag:s14] =	ssyncadd.s32 $0xFFFFC000  }
0x6d: {  	v15 =	vld [tilespmem:$0x280];
	_ =	sdelay $0x4  }
0x6e: {  	v48 =	vshll.u32 v15, $0x3  }
0x6f: {  	v15 =	vand.u32 $0x7, v15;
	v16 =	vand.u32 $0xFFFFFFC0, v48  }
0x70: {  	v15 =	vor.u32 v15, v16  }
0x71: {  	v16 =	vperm.xlane v15, v12;
	_ =	sdelay $0x1  }
0x72: {  	v16 =	vadd.s32 v13, v16;
	_ =	sdelay $0x3  }
0x73: {  	s3 =	simm.s32 $0x480  }
0x74: {  	[hbm4b:s2+s4] =	stream.indirect_vreg.scatter [tilespmem:s3], [sflag:$0x4], $0x80, v16, vm0, $0xb8;
	[tilespmem:$0x18480] =	vst v63  }
0x75: {  	s25 =	simm.s32 $0xC80;
	v15 =	vperm.xlane v15, v14  }
0x76: {  	[hbm4b:s9+s4] =	stream.indirect_vreg.scatter [tilespmem:s25], [sflag:$0x4], $0x80, v16, vm0, $0xb8;
	[tilespmem:$0x18480] =	vst v63  }
0x77: {  	s26 =	simm.s32 $0x1480;
	v15 =	vadd.s32 v13, v15  }
0x78: {  	[hbm4b:s10+s4] =	stream.indirect_vreg.scatter [tilespmem:s26], [sflag:$0x4], $0x80, v16, vm0, $0xb8;
	[tilespmem:$0x18480] =	vst v63  }
0x79: {  	s22 =	simm.s32 $0x1C80  }
0x7a: {  	[hbm4b:s11+s4] =	stream.indirect_vreg.scatter [tilespmem:s22], [sflag:$0x4], $0x80, v16, vm0, $0xb8;
	[tilespmem:$0x18480] =	vst v63  }
0x7b: {  	s23 =	simm.s32 $0x2480  }
0x7c: {  	[hbm4b:s2+s4] =	stream.indirect_vreg.scatter [tilespmem:s23], [sflag:$0x4], $0x80, v15, vm0, $0xb8;
	[tilespmem:$0x18480] =	vst v63  }
0x7d: {  	s24 =	simm.s32 $0x2C80  }
0x7e: {  	[hbm4b:s9+s4] =	stream.indirect_vreg.scatter [tilespmem:s24], [sflag:$0x4], $0x80, v15, vm0, $0xb8;
	[tilespmem:$0x18480] =	vst v63  }
0x7f: {  	s25 =	simm.s32 $0x3480  }
0x80: {  	[hbm4b:s10+s4] =	stream.indirect_vreg.scatter [tilespmem:s25], [sflag:$0x4], $0x80, v15, vm0, $0xb8;
	[tilespmem:$0x18480] =	vst v63  }
0x81: {  	s26 =	simm.s32 $0x3C80  }
0x82: {  	[hbm4b:s11+s4] =	stream.indirect_vreg.scatter [tilespmem:s26], [sflag:$0x4], $0x80, v15, vm0, $0xb8;
	[tilespmem:$0x18480] =	vst v63  }
0x83: {  	s19 =	rddreg [dreg:$0x8];
	s3 =	simm.s32 $0x10480  }
0x84: {  	[tilespmem:s3], [sflag:$0x3] =	stream.linear.gather [hbm4b:s19+s4], $0x8000, $0x38;
	[tilespmem:$0x18480] =	vst v63  }
0x85: {  	_ =	swait.ge [sflag:s13], $0x8000  }
0x86: {  	[sflag:s13] =	ssyncset.done $0x0  }
0x87: {  	[sflag:s13] =	ssyncadd.s32 $0xFFFF8000  }
0x88: {  	v15 =	vld [tilespmem:$0x100];
	_ =	sdelay $0x4  }
0x89: {  	v49 =	vshll.u32 v15, $0x3  }
0x8a: {  	v15 =	vand.u32 $0x7, v15;
	v16 =	vand.u32 $0xFFFFFFC0, v49  }
0x8b: {  	v15 =	vor.u32 v15, v16  }
0x8c: {  	v16 =	vperm.xlane v15, v12;
	_ =	sdelay $0x1  }
0x8d: {  	v16 =	vadd.s32 v13, v16;
	_ =	sdelay $0x3  }
0x8e: {  	s5 =	simm.s32 $0x8480  }
0x8f: {  	[hbm4b:s2+s4] =	stream.indirect_vreg.scatter [tilespmem:s5], [sflag:$0x5], $0x80, v16, vm0, $0xb8;
	[tilespmem:$0x18480] =	vst v63  }
0x90: {  	s20 =	simm.s32 $0x8C80;
	v15 =	vperm.xlane v15, v14  }
0x91: {  	[hbm4b:s9+s4] =	stream.indirect_vreg.scatter [tilespmem:s20], [sflag:$0x5], $0x80, v16, vm0, $0xb8;
	[tilespmem:$0x18480] =	vst v63  }
0x92: {  	s21 =	simm.s32 $0x9480;
	v15 =	vadd.s32 v13, v15  }
0x93: {  	[hbm4b:s10+s4] =	stream.indirect_vreg.scatter [tilespmem:s21], [sflag:$0x5], $0x80, v16, vm0, $0xb8;
	[tilespmem:$0x18480] =	vst v63  }
0x94: {  	s5 =	simm.s32 $0x9C80  }
0x95: {  	[hbm4b:s11+s4] =	stream.indirect_vreg.scatter [tilespmem:s5], [sflag:$0x5], $0x80, v16, vm0, $0xb8;
	[tilespmem:$0x18480] =	vst v63  }
0x96: {  	s19 =	simm.s32 $0xA480  }
0x97: {  	[hbm4b:s2+s4] =	stream.indirect_vreg.scatter [tilespmem:s19], [sflag:$0x5], $0x80, v15, vm0, $0xb8;
	[tilespmem:$0x18480] =	vst v63  }
0x98: {  	s20 =	simm.s32 $0xAC80  }
0x99: {  	[hbm4b:s9+s4] =	stream.indirect_vreg.scatter [tilespmem:s20], [sflag:$0x5], $0x80, v15, vm0, $0xb8;
	[tilespmem:$0x18480] =	vst v63  }
0x9a: {  	s21 =	simm.s32 $0xB480  }
0x9b: {  	[hbm4b:s10+s4] =	stream.indirect_vreg.scatter [tilespmem:s21], [sflag:$0x5], $0x80, v15, vm0, $0xb8;
	[tilespmem:$0x18480] =	vst v63  }
0x9c: {  	s15 =	simm.s32 $0xBC80  }
0x9d: {  	[hbm4b:s11+s4] =	stream.indirect_vreg.scatter [tilespmem:s15], [sflag:$0x5], $0x80, v15, vm0, $0xb8;
	[tilespmem:$0x18480] =	vst v63  }
0x9e: {  	v15 =	vld [tilespmem:$0x110];
	_ =	sdelay $0x4  }
0x9f: {  	v50 =	vshll.u32 v15, $0x3  }
0xa0: {  	v15 =	vand.u32 $0x7, v15;
	v16 =	vand.u32 $0xFFFFFFC0, v50  }
0xa1: {  	v15 =	vor.u32 v15, v16  }
0xa2: {  	v16 =	vperm.xlane v15, v12;
	_ =	sdelay $0x1  }
0xa3: {  	v16 =	vadd.s32 v13, v16;
	_ =	sdelay $0x3  }
0xa4: {  	s17 =	simm.s32 $0xC480  }
0xa5: {  	[hbm4b:s2+s4] =	stream.indirect_vreg.scatter [tilespmem:s17], [sflag:$0x5], $0x80, v16, vm0, $0xb8;
	[tilespmem:$0x18480] =	vst v63  }
0xa6: {  	s12 =	simm.s32 $0xCC80;
	v15 =	vperm.xlane v15, v14  }
0xa7: {  	[hbm4b:s9+s4] =	stream.indirect_vreg.scatter [tilespmem:s12], [sflag:$0x5], $0x80, v16, vm0, $0xb8;
	[tilespmem:$0x18480] =	vst v63  }
0xa8: {  	s18 =	simm.s32 $0xD480;
	v15 =	vadd.s32 v13, v15  }
0xa9: {  	[hbm4b:s10+s4] =	stream.indirect_vreg.scatter [tilespmem:s18], [sflag:$0x5], $0x80, v16, vm0, $0xb8;
	[tilespmem:$0x18480] =	vst v63  }
0xaa: {  	s28 =	simm.s32 $0xDC80  }
0xab: {  	[hbm4b:s11+s4] =	stream.indirect_vreg.scatter [tilespmem:s28], [sflag:$0x5], $0x80, v16, vm0, $0xb8;
	[tilespmem:$0x18480] =	vst v63  }
0xac: {  	s29 =	simm.s32 $0xE480  }
0xad: {  	[hbm4b:s2+s4] =	stream.indirect_vreg.scatter [tilespmem:s29], [sflag:$0x5], $0x80, v15, vm0, $0xb8;
	[tilespmem:$0x18480] =	vst v63  }
0xae: {  	s30 =	simm.s32 $0xEC80  }
0xaf: {  	[hbm4b:s9+s4] =	stream.indirect_vreg.scatter [tilespmem:s30], [sflag:$0x5], $0x80, v15, vm0, $0xb8;
	[tilespmem:$0x18480] =	vst v63  }
0xb0: {  	s31 =	simm.s32 $0xF480  }
0xb1: {  	[hbm4b:s10+s4] =	stream.indirect_vreg.scatter [tilespmem:s31], [sflag:$0x5], $0x80, v15, vm0, $0xb8;
	[tilespmem:$0x18480] =	vst v63  }
0xb2: {  	s0 =	simm.s32 $0xFC80;
	s20 =	simm.s32 $0x4  }
0xb3: {  	[hbm4b:s11+s4] =	stream.indirect_vreg.scatter [tilespmem:s0], [sflag:$0x5], $0x80, v15, vm0, $0xb8;
	[tilespmem:$0x18480] =	vst v63  }
0xb4: {  	_ =	swait.ge [sflag:s20], $0x4000  }
0xb5: {  	[sflag:s20] =	ssyncset.done $0x0  }
0xb6: {  	[sflag:s20] =	ssyncadd.s32 $0xFFFFC000  }
0xb7: {  	v15 =	vld [tilespmem:$0xA0];
	_ =	sdelay $0x4  }
0xb8: {  	v51 =	vshll.u32 v15, $0x3  }
0xb9: {  	v15 =	vand.u32 $0x7, v15;
	v16 =	vand.u32 $0xFFFFFFC0, v51  }
0xba: {  	v15 =	vor.u32 v15, v16  }
0xbb: {  	v16 =	vperm.xlane v15, v12;
	_ =	sdelay $0x1  }
0xbc: {  	v16 =	vadd.s32 v13, v16;
	_ =	sdelay $0x3  }
0xbd: {  	s0 =	simm.s32 $0x480  }
0xbe: {  	[tilespmem:s0], [sflag:$0x1] =	stream.indirect_vreg.gather [hbm4b:s16+s4], $0x80, v16, vm0, $0xb8;
	[tilespmem:$0x18480] =	vst v63  }
0xbf: {  	s1 =	simm.s32 $0xC80;
	v15 =	vperm.xlane v15, v14  }
0xc0: {  	[tilespmem:s1], [sflag:$0x1] =	stream.indirect_vreg.gather [hbm4b:s6+s4], $0x80, v16, vm0, $0xb8;
	[tilespmem:$0x18480] =	vst v63  }
0xc1: {  	v15 =	vadd.s32 v13, v15;
	s1 =	simm.s32 $0x1480  }
0xc2: {  	[tilespmem:s1], [sflag:$0x1] =	stream.indirect_vreg.gather [hbm4b:s7+s4], $0x80, v16, vm0, $0xb8;
	[tilespmem:$0x18480] =	vst v63  }
0xc3: {  	_ = 	snop  }
0xc4: {  	[tilespmem:s22], [sflag:$0x1] =	stream.indirect_vreg.gather [hbm4b:s8+s4], $0x80, v16, vm0, $0xb8;
	[tilespmem:$0x18480] =	vst v63  }
0xc5: {  	_ = 	snop  }
0xc6: {  	[tilespmem:s23], [sflag:$0x1] =	stream.indirect_vreg.gather [hbm4b:s16+s4], $0x80, v15, vm0, $0xb8;
	[tilespmem:$0x18480] =	vst v63  }
0xc7: {  	_ = 	snop  }
0xc8: {  	[tilespmem:s24], [sflag:$0x1] =	stream.indirect_vreg.gather [hbm4b:s6+s4], $0x80, v15, vm0, $0xb8;
	[tilespmem:$0x18480] =	vst v63  }
0xc9: {  	_ = 	snop  }
0xca: {  	[tilespmem:s25], [sflag:$0x1] =	stream.indirect_vreg.gather [hbm4b:s7+s4], $0x80, v15, vm0, $0xb8;
	[tilespmem:$0x18480] =	vst v63  }
0xcb: {  	_ = 	snop  }
0xcc: {  	[tilespmem:s26], [sflag:$0x1] =	stream.indirect_vreg.gather [hbm4b:s8+s4], $0x80, v15, vm0, $0xb8;
	[tilespmem:$0x18480] =	vst v63  }
0xcd: {  	v15 =	vld [tilespmem:$0xB0];
	_ =	sdelay $0x4  }
0xce: {  	v52 =	vshll.u32 v15, $0x3  }
0xcf: {  	v15 =	vand.u32 $0x7, v15;
	v16 =	vand.u32 $0xFFFFFFC0, v52  }
0xd0: {  	v15 =	vor.u32 v15, v16  }
0xd1: {  	v16 =	vperm.xlane v15, v12;
	_ =	sdelay $0x1  }
0xd2: {  	v16 =	vadd.s32 v13, v16;
	_ =	sdelay $0x3  }
0xd3: {  	s29 =	simm.s32 $0x4480  }
0xd4: {  	[tilespmem:s29], [sflag:$0x1] =	stream.indirect_vreg.gather [hbm4b:s16+s4], $0x80, v16, vm0, $0xb8;
	[tilespmem:$0x18480] =	vst v63  }
0xd5: {  	s30 =	simm.s32 $0x4C80;
	v15 =	vperm.xlane v15, v14  }
0xd6: {  	[tilespmem:s30], [sflag:$0x1] =	stream.indirect_vreg.gather [hbm4b:s6+s4], $0x80, v16, vm0, $0xb8;
	[tilespmem:$0x18480] =	vst v63  }
0xd7: {  	s31 =	simm.s32 $0x5480;
	v15 =	vadd.s32 v13, v15  }
0xd8: {  	[tilespmem:s31], [sflag:$0x1] =	stream.indirect_vreg.gather [hbm4b:s7+s4], $0x80, v16, vm0, $0xb8;
	[tilespmem:$0x18480] =	vst v63  }
0xd9: {  	s17 =	simm.s32 $0x5C80  }
0xda: {  	[tilespmem:s17], [sflag:$0x1] =	stream.indirect_vreg.gather [hbm4b:s8+s4], $0x80, v16, vm0, $0xb8;
	[tilespmem:$0x18480] =	vst v63  }
0xdb: {  	s18 =	simm.s32 $0x6480  }
0xdc: {  	[tilespmem:s18], [sflag:$0x1] =	stream.indirect_vreg.gather [hbm4b:s16+s4], $0x80, v15, vm0, $0xb8;
	[tilespmem:$0x18480] =	vst v63  }
0xdd: {  	s12 =	simm.s32 $0x6C80  }
0xde: {  	[tilespmem:s12], [sflag:$0x1] =	stream.indirect_vreg.gather [hbm4b:s6+s4], $0x80, v15, vm0, $0xb8;
	[tilespmem:$0x18480] =	vst v63  }
0xdf: {  	s5 =	simm.s32 $0x7480  }
0xe0: {  	[tilespmem:s5], [sflag:$0x1] =	stream.indirect_vreg.gather [hbm4b:s7+s4], $0x80, v15, vm0, $0xb8;
	[tilespmem:$0x18480] =	vst v63  }
0xe1: {  	s15 =	simm.s32 $0x7C80;
	s28 =	simm.s32 $0x3  }
0xe2: {  	[tilespmem:s15], [sflag:$0x1] =	stream.indirect_vreg.gather [hbm4b:s8+s4], $0x80, v15, vm0, $0xb8;
	[tilespmem:$0x18480] =	vst v63  }
0xe3: {  	_ =	swait.ge [sflag:s28], $0x8000  }
0xe4: {  	[sflag:s28] =	ssyncset.done $0x0  }
0xe5: {  	s21 =	simm.s32 $0x10480;
	s3 =	rddreg [dreg:$0x9];
	[sflag:s28] =	ssyncadd.s32 $0xFFFF8000  }
0xe6: {  	[hbm4b:s3+s4] =	stream.linear.scatter [tilespmem:s21], [sflag:$0x6], $0x8000, $0x38;
	[tilespmem:$0x18480] =	vst v63  }
0xe7: {  	s3 =	simm.s32 $0x5  }
0xe8: {  	_ =	swait.ge [sflag:s3], $0x8000  }
0xe9: {  	[sflag:s3] =	ssyncset.done $0x0  }
0xea: {  	s1 =	simm.s32 $0x8480;
	s19 =	rddreg [dreg:$0xa];
	[sflag:s3] =	ssyncadd.s32 $0xFFFF8000  }
0xeb: {  	[tilespmem:s1], [sflag:$0x2] =	stream.linear.gather [hbm4b:s19+s4], $0x8000, $0x38;
	[tilespmem:$0x18480] =	vst v63  }
0xec: {  	_ =	swait.ge [sflag:s14], $0x8000  }
0xed: {  	[sflag:s14] =	ssyncset.done $0x0  }
0xee: {  	[sflag:s14] =	ssyncadd.s32 $0xFFFF8000  }
0xef: {  	v15 =	vld [tilespmem:$0x180];
	_ =	sdelay $0x4  }
0xf0: {  	v53 =	vshll.u32 v15, $0x3  }
0xf1: {  	v15 =	vand.u32 $0x7, v15;
	v16 =	vand.u32 $0xFFFFFFC0, v53  }
0xf2: {  	v15 =	vor.u32 v15, v16  }
0xf3: {  	v16 =	vperm.xlane v15, v12;
	_ =	sdelay $0x1  }
0xf4: {  	v16 =	vadd.s32 v13, v16;
	_ =	sdelay $0x4  }
0xf5: {  	[hbm4b:s2+s4] =	stream.indirect_vreg.scatter [tilespmem:s0], [sflag:$0x4], $0x80, v16, vm0, $0xb8;
	[tilespmem:$0x18480] =	vst v63  }
0xf6: {  	s1 =	simm.s32 $0xC80;
	v15 =	vperm.xlane v15, v14  }
0xf7: {  	[hbm4b:s9+s4] =	stream.indirect_vreg.scatter [tilespmem:s1], [sflag:$0x4], $0x80, v16, vm0, $0xb8;
	[tilespmem:$0x18480] =	vst v63  }
0xf8: {  	s19 =	simm.s32 $0x1480;
	v15 =	vadd.s32 v13, v15  }
0xf9: {  	[hbm4b:s10+s4] =	stream.indirect_vreg.scatter [tilespmem:s19], [sflag:$0x4], $0x80, v16, vm0, $0xb8;
	[tilespmem:$0x18480] =	vst v63  }
0xfa: {  	_ = 	snop  }
0xfb: {  	[hbm4b:s11+s4] =	stream.indirect_vreg.scatter [tilespmem:s22], [sflag:$0x4], $0x80, v16, vm0, $0xb8;
	[tilespmem:$0x18480] =	vst v63  }
0xfc: {  	_ = 	snop  }
0xfd: {  	[hbm4b:s2+s4] =	stream.indirect_vreg.scatter [tilespmem:s23], [sflag:$0x4], $0x80, v15, vm0, $0xb8;
	[tilespmem:$0x18480] =	vst v63  }
0xfe: {  	_ = 	snop  }
0xff: {  	[hbm4b:s9+s4] =	stream.indirect_vreg.scatter [tilespmem:s24], [sflag:$0x4], $0x80, v15, vm0, $0xb8;
	[tilespmem:$0x18480] =	vst v63  }
0x100: {  	_ = 	snop  }
0x101: {  	[hbm4b:s10+s4] =	stream.indirect_vreg.scatter [tilespmem:s25], [sflag:$0x4], $0x80, v15, vm0, $0xb8;
	[tilespmem:$0x18480] =	vst v63  }
0x102: {  	_ = 	snop  }
0x103: {  	[hbm4b:s11+s4] =	stream.indirect_vreg.scatter [tilespmem:s26], [sflag:$0x4], $0x80, v15, vm0, $0xb8;
	[tilespmem:$0x18480] =	vst v63  }
0x104: {  	v15 =	vld [tilespmem:$0x190];
	_ =	sdelay $0x4  }
0x105: {  	v54 =	vshll.u32 v15, $0x3  }
0x106: {  	v15 =	vand.u32 $0x7, v15;
	v16 =	vand.u32 $0xFFFFFFC0, v54  }
0x107: {  	v15 =	vor.u32 v15, v16  }
0x108: {  	v16 =	vperm.xlane v15, v12;
	_ =	sdelay $0x1  }
0x109: {  	v16 =	vadd.s32 v13, v16;
	_ =	sdelay $0x4  }
0x10a: {  	[hbm4b:s2+s4] =	stream.indirect_vreg.scatter [tilespmem:s29], [sflag:$0x4], $0x80, v16, vm0, $0xb8;
	[tilespmem:$0x18480] =	vst v63  }
0x10b: {  	v15 =	vperm.xlane v15, v14  }
0x10c: {  	[hbm4b:s9+s4] =	stream.indirect_vreg.scatter [tilespmem:s30], [sflag:$0x4], $0x80, v16, vm0, $0xb8;
	[tilespmem:$0x18480] =	vst v63  }
0x10d: {  	v15 =	vadd.s32 v13, v15  }
0x10e: {  	[hbm4b:s10+s4] =	stream.indirect_vreg.scatter [tilespmem:s31], [sflag:$0x4], $0x80, v16, vm0, $0xb8;
	[tilespmem:$0x18480] =	vst v63  }
0x10f: {  	_ = 	snop  }
0x110: {  	[hbm4b:s11+s4] =	stream.indirect_vreg.scatter [tilespmem:s17], [sflag:$0x4], $0x80, v16, vm0, $0xb8;
	[tilespmem:$0x18480] =	vst v63  }
0x111: {  	_ = 	snop  }
0x112: {  	[hbm4b:s2+s4] =	stream.indirect_vreg.scatter [tilespmem:s18], [sflag:$0x4], $0x80, v15, vm0, $0xb8;
	[tilespmem:$0x18480] =	vst v63  }
0x113: {  	_ = 	snop  }
0x114: {  	[hbm4b:s9+s4] =	stream.indirect_vreg.scatter [tilespmem:s12], [sflag:$0x4], $0x80, v15, vm0, $0xb8;
	[tilespmem:$0x18480] =	vst v63  }
0x115: {  	_ = 	snop  }
0x116: {  	[hbm4b:s10+s4] =	stream.indirect_vreg.scatter [tilespmem:s5], [sflag:$0x4], $0x80, v15, vm0, $0xb8;
	[tilespmem:$0x18480] =	vst v63  }
0x117: {  	s5 =	simm.s32 $0x6  }
0x118: {  	[hbm4b:s11+s4] =	stream.indirect_vreg.scatter [tilespmem:s15], [sflag:$0x4], $0x80, v15, vm0, $0xb8;
	[tilespmem:$0x18480] =	vst v63  }
0x119: {  	_ =	swait.ge [sflag:s5], $0x8000  }
0x11a: {  	[sflag:s5] =	ssyncset.done $0x0  }
0x11b: {  	[sflag:s5] =	ssyncadd.s32 $0xFFFF8000  }
0x11c: {  	v15 =	vld [tilespmem:$0xC0];
	_ =	sdelay $0x4  }
0x11d: {  	v55 =	vshll.u32 v15, $0x3  }
0x11e: {  	v15 =	vand.u32 $0x7, v15;
	v16 =	vand.u32 $0xFFFFFFC0, v55  }
0x11f: {  	v15 =	vor.u32 v15, v16  }
0x120: {  	v16 =	vperm.xlane v15, v12;
	_ =	sdelay $0x1  }
0x121: {  	v16 =	vadd.s32 v13, v16;
	_ =	sdelay $0x4  }
0x122: {  	[tilespmem:s21], [sflag:$0x3] =	stream.indirect_vreg.gather [hbm4b:s16+s4], $0x80, v16, vm0, $0xb8;
	[tilespmem:$0x18480] =	vst v63  }
0x123: {  	s30 =	simm.s32 $0x10C80;
	v15 =	vperm.xlane v15, v14  }
0x124: {  	[tilespmem:s30], [sflag:$0x3] =	stream.indirect_vreg.gather [hbm4b:s6+s4], $0x80, v16, vm0, $0xb8;
	[tilespmem:$0x18480] =	vst v63  }
0x125: {  	s31 =	simm.s32 $0x11480;
	v15 =	vadd.s32 v13, v15  }
0x126: {  	[tilespmem:s31], [sflag:$0x3] =	stream.indirect_vreg.gather [hbm4b:s7+s4], $0x80, v16, vm0, $0xb8;
	[tilespmem:$0x18480] =	vst v63  }
0x127: {  	s1 =	simm.s32 $0x11C80  }
0x128: {  	[tilespmem:s1], [sflag:$0x3] =	stream.indirect_vreg.gather [hbm4b:s8+s4], $0x80, v16, vm0, $0xb8;
	[tilespmem:$0x18480] =	vst v63  }
0x129: {  	s12 =	simm.s32 $0x12480  }
0x12a: {  	[tilespmem:s12], [sflag:$0x3] =	stream.indirect_vreg.gather [hbm4b:s16+s4], $0x80, v15, vm0, $0xb8;
	[tilespmem:$0x18480] =	vst v63  }
0x12b: {  	s15 =	simm.s32 $0x12C80  }
0x12c: {  	[tilespmem:s15], [sflag:$0x3] =	stream.indirect_vreg.gather [hbm4b:s6+s4], $0x80, v15, vm0, $0xb8;
	[tilespmem:$0x18480] =	vst v63  }
0x12d: {  	s17 =	simm.s32 $0x13480  }
0x12e: {  	[tilespmem:s17], [sflag:$0x3] =	stream.indirect_vreg.gather [hbm4b:s7+s4], $0x80, v15, vm0, $0xb8;
	[tilespmem:$0x18480] =	vst v63  }
0x12f: {  	s18 =	simm.s32 $0x13C80  }
0x130: {  	[tilespmem:s18], [sflag:$0x3] =	stream.indirect_vreg.gather [hbm4b:s8+s4], $0x80, v15, vm0, $0xb8;
	[tilespmem:$0x18480] =	vst v63  }
0x131: {  	v15 =	vld [tilespmem:$0xD0];
	_ =	sdelay $0x4  }
0x132: {  	v56 =	vshll.u32 v15, $0x3  }
0x133: {  	v15 =	vand.u32 $0x7, v15;
	v16 =	vand.u32 $0xFFFFFFC0, v56  }
0x134: {  	v15 =	vor.u32 v15, v16  }
0x135: {  	v16 =	vperm.xlane v15, v12;
	_ =	sdelay $0x1  }
0x136: {  	v16 =	vadd.s32 v13, v16;
	_ =	sdelay $0x3  }
0x137: {  	s23 =	simm.s32 $0x14480  }
0x138: {  	[tilespmem:s23], [sflag:$0x3] =	stream.indirect_vreg.gather [hbm4b:s16+s4], $0x80, v16, vm0, $0xb8;
	[tilespmem:$0x18480] =	vst v63  }
0x139: {  	s24 =	simm.s32 $0x14C80;
	v15 =	vperm.xlane v15, v14  }
0x13a: {  	[tilespmem:s24], [sflag:$0x3] =	stream.indirect_vreg.gather [hbm4b:s6+s4], $0x80, v16, vm0, $0xb8;
	[tilespmem:$0x18480] =	vst v63  }
0x13b: {  	s25 =	simm.s32 $0x15480;
	v15 =	vadd.s32 v13, v15  }
0x13c: {  	[tilespmem:s25], [sflag:$0x3] =	stream.indirect_vreg.gather [hbm4b:s7+s4], $0x80, v16, vm0, $0xb8;
	[tilespmem:$0x18480] =	vst v63  }
0x13d: {  	s26 =	simm.s32 $0x15C80  }
0x13e: {  	[tilespmem:s26], [sflag:$0x3] =	stream.indirect_vreg.gather [hbm4b:s8+s4], $0x80, v16, vm0, $0xb8;
	[tilespmem:$0x18480] =	vst v63  }
0x13f: {  	s29 =	simm.s32 $0x16480  }
0x140: {  	[tilespmem:s29], [sflag:$0x3] =	stream.indirect_vreg.gather [hbm4b:s16+s4], $0x80, v15, vm0, $0xb8;
	[tilespmem:$0x18480] =	vst v63  }
0x141: {  	s16 =	simm.s32 $0x16C80  }
0x142: {  	[tilespmem:s16], [sflag:$0x3] =	stream.indirect_vreg.gather [hbm4b:s6+s4], $0x80, v15, vm0, $0xb8;
	[tilespmem:$0x18480] =	vst v63  }
0x143: {  	s30 =	simm.s32 $0x17480  }
0x144: {  	[tilespmem:s30], [sflag:$0x3] =	stream.indirect_vreg.gather [hbm4b:s7+s4], $0x80, v15, vm0, $0xb8;
	[tilespmem:$0x18480] =	vst v63  }
0x145: {  	s31 =	simm.s32 $0x17C80  }
0x146: {  	[tilespmem:s31], [sflag:$0x3] =	stream.indirect_vreg.gather [hbm4b:s8+s4], $0x80, v15, vm0, $0xb8;
	[tilespmem:$0x18480] =	vst v63  }
0x147: {  	_ =	swait.ge [sflag:s13], $0x8000  }
0x148: {  	[sflag:s13] =	ssyncset.done $0x0  }
0x149: {  	[sflag:s13] =	ssyncadd.s32 $0xFFFF8000  }
0x14a: {  	v15 =	vld [tilespmem:$0x380];
	_ =	sdelay $0x4  }
0x14b: {  	v57 =	vshll.u32 v15, $0x3  }
0x14c: {  	v15 =	vand.u32 $0x7, v15;
	v16 =	vand.u32 $0xFFFFFFC0, v57  }
0x14d: {  	v15 =	vor.u32 v15, v16  }
0x14e: {  	v16 =	vperm.xlane v15, v12;
	_ =	sdelay $0x1  }
0x14f: {  	v16 =	vadd.s32 v13, v16;
	_ =	sdelay $0x3  }
0x150: {  	s12 =	simm.s32 $0x8480  }
0x151: {  	[hbm4b:s2+s4] =	stream.indirect_vreg.scatter [tilespmem:s12], [sflag:$0x5], $0x80, v16, vm0, $0xb8;
	[tilespmem:$0x18480] =	vst v63  }
0x152: {  	s19 =	simm.s32 $0x8C80;
	v15 =	vperm.xlane v15, v14  }
0x153: {  	[hbm4b:s9+s4] =	stream.indirect_vreg.scatter [tilespmem:s19], [sflag:$0x5], $0x80, v16, vm0, $0xb8;
	[tilespmem:$0x18480] =	vst v63  }
0x154: {  	s21 =	simm.s32 $0x9480;
	v15 =	vadd.s32 v13, v15  }
0x155: {  	[hbm4b:s10+s4] =	stream.indirect_vreg.scatter [tilespmem:s21], [sflag:$0x5], $0x80, v16, vm0, $0xb8;
	[tilespmem:$0x18480] =	vst v63  }
0x156: {  	s15 =	simm.s32 $0x9C80  }
0x157: {  	[hbm4b:s11+s4] =	stream.indirect_vreg.scatter [tilespmem:s15], [sflag:$0x5], $0x80, v16, vm0, $0xb8;
	[tilespmem:$0x18480] =	vst v63  }
0x158: {  	s17 =	simm.s32 $0xA480  }
0x159: {  	[hbm4b:s2+s4] =	stream.indirect_vreg.scatter [tilespmem:s17], [sflag:$0x5], $0x80, v15, vm0, $0xb8;
	[tilespmem:$0x18480] =	vst v63  }
0x15a: {  	s18 =	simm.s32 $0xAC80  }
0x15b: {  	[hbm4b:s9+s4] =	stream.indirect_vreg.scatter [tilespmem:s18], [sflag:$0x5], $0x80, v15, vm0, $0xb8;
	[tilespmem:$0x18480] =	vst v63  }
0x15c: {  	s22 =	simm.s32 $0xB480  }
0x15d: {  	[hbm4b:s10+s4] =	stream.indirect_vreg.scatter [tilespmem:s22], [sflag:$0x5], $0x80, v15, vm0, $0xb8;
	[tilespmem:$0x18480] =	vst v63  }
0x15e: {  	s1 =	simm.s32 $0xBC80  }
0x15f: {  	[hbm4b:s11+s4] =	stream.indirect_vreg.scatter [tilespmem:s1], [sflag:$0x5], $0x80, v15, vm0, $0xb8;
	[tilespmem:$0x18480] =	vst v63  }
0x160: {  	v15 =	vld [tilespmem:$0x390];
	_ =	sdelay $0x4  }
0x161: {  	v58 =	vshll.u32 v15, $0x3  }
0x162: {  	v15 =	vand.u32 $0x7, v15;
	v16 =	vand.u32 $0xFFFFFFC0, v58  }
0x163: {  	v15 =	vor.u32 v15, v16  }
0x164: {  	v16 =	vperm.xlane v15, v12;
	_ =	sdelay $0x1  }
0x165: {  	v16 =	vadd.s32 v13, v16;
	_ =	sdelay $0x3  }
0x166: {  	s21 =	simm.s32 $0xC480  }
0x167: {  	[hbm4b:s2+s4] =	stream.indirect_vreg.scatter [tilespmem:s21], [sflag:$0x5], $0x80, v16, vm0, $0xb8;
	[tilespmem:$0x18480] =	vst v63  }
0x168: {  	s22 =	simm.s32 $0xCC80;
	v15 =	vperm.xlane v15, v14  }
0x169: {  	[hbm4b:s9+s4] =	stream.indirect_vreg.scatter [tilespmem:s22], [sflag:$0x5], $0x80, v16, vm0, $0xb8;
	[tilespmem:$0x18480] =	vst v63  }
0x16a: {  	v15 =	vadd.s32 v13, v15;
	s21 =	simm.s32 $0xD480  }
0x16b: {  	[hbm4b:s10+s4] =	stream.indirect_vreg.scatter [tilespmem:s21], [sflag:$0x5], $0x80, v16, vm0, $0xb8;
	[tilespmem:$0x18480] =	vst v63  }
0x16c: {  	s22 =	simm.s32 $0xDC80  }
0x16d: {  	[hbm4b:s11+s4] =	stream.indirect_vreg.scatter [tilespmem:s22], [sflag:$0x5], $0x80, v16, vm0, $0xb8;
	[tilespmem:$0x18480] =	vst v63  }
0x16e: {  	s0 =	simm.s32 $0xE480  }
0x16f: {  	[hbm4b:s2+s4] =	stream.indirect_vreg.scatter [tilespmem:s0], [sflag:$0x5], $0x80, v15, vm0, $0xb8;
	[tilespmem:$0x18480] =	vst v63  }
0x170: {  	s1 =	simm.s32 $0xEC80  }
0x171: {  	[hbm4b:s9+s4] =	stream.indirect_vreg.scatter [tilespmem:s1], [sflag:$0x5], $0x80, v15, vm0, $0xb8;
	[tilespmem:$0x18480] =	vst v63  }
0x172: {  	s0 =	simm.s32 $0xF480  }
0x173: {  	[hbm4b:s10+s4] =	stream.indirect_vreg.scatter [tilespmem:s0], [sflag:$0x5], $0x80, v15, vm0, $0xb8;
	[tilespmem:$0x18480] =	vst v63  }
0x174: {  	s1 =	simm.s32 $0xFC80  }
0x175: {  	[hbm4b:s11+s4] =	stream.indirect_vreg.scatter [tilespmem:s1], [sflag:$0x5], $0x80, v15, vm0, $0xb8;
	[tilespmem:$0x18480] =	vst v63  }
0x176: {  	_ =	swait.ge [sflag:s20], $0x8000  }
0x177: {  	[sflag:s20] =	ssyncset.done $0x0  }
0x178: {  	s1 =	simm.s32 $0x480;
	s0 =	rddreg [dreg:$0xb];
	[sflag:s20] =	ssyncadd.s32 $0xFFFF8000  }
0x179: {  	[tilespmem:s1], [sflag:$0x1] =	stream.linear.gather [hbm4b:s0+s4], $0x8000, $0x38;
	[tilespmem:$0x18480] =	vst v63  }
0x17a: {  	_ =	swait.ge [sflag:s28], $0x8000  }
0x17b: {  	[sflag:s28] =	ssyncset.done $0x0  }
0x17c: {  	[sflag:s28] =	ssyncadd.s32 $0xFFFF8000  }
0x17d: {  	v15 =	vld [tilespmem:$0x200];
	_ =	sdelay $0x4  }
0x17e: {  	v59 =	vshll.u32 v15, $0x3  }
0x17f: {  	v15 =	vand.u32 $0x7, v15;
	v16 =	vand.u32 $0xFFFFFFC0, v59  }
0x180: {  	v15 =	vor.u32 v15, v16  }
0x181: {  	v16 =	vperm.xlane v15, v12;
	_ =	sdelay $0x1  }
0x182: {  	v16 =	vadd.s32 v13, v16;
	_ =	sdelay $0x3  }
0x183: {  	s0 =	simm.s32 $0x10480  }
0x184: {  	[hbm4b:s2+s4] =	stream.indirect_vreg.scatter [tilespmem:s0], [sflag:$0x6], $0x80, v16, vm0, $0xb8;
	[tilespmem:$0x18480] =	vst v63  }
0x185: {  	s19 =	simm.s32 $0x10C80;
	v15 =	vperm.xlane v15, v14  }
0x186: {  	[hbm4b:s9+s4] =	stream.indirect_vreg.scatter [tilespmem:s19], [sflag:$0x6], $0x80, v16, vm0, $0xb8;
	[tilespmem:$0x18480] =	vst v63  }
0x187: {  	v15 =	vadd.s32 v13, v15;
	s19 =	simm.s32 $0x11480  }
0x188: {  	[hbm4b:s10+s4] =	stream.indirect_vreg.scatter [tilespmem:s19], [sflag:$0x6], $0x80, v16, vm0, $0xb8;
	[tilespmem:$0x18480] =	vst v63  }
0x189: {  	s19 =	simm.s32 $0x11C80  }
0x18a: {  	[hbm4b:s11+s4] =	stream.indirect_vreg.scatter [tilespmem:s19], [sflag:$0x6], $0x80, v16, vm0, $0xb8;
	[tilespmem:$0x18480] =	vst v63  }
0x18b: {  	s19 =	simm.s32 $0x12480  }
0x18c: {  	[hbm4b:s2+s4] =	stream.indirect_vreg.scatter [tilespmem:s19], [sflag:$0x6], $0x80, v15, vm0, $0xb8;
	[tilespmem:$0x18480] =	vst v63  }
0x18d: {  	s19 =	simm.s32 $0x12C80  }
0x18e: {  	[hbm4b:s9+s4] =	stream.indirect_vreg.scatter [tilespmem:s19], [sflag:$0x6], $0x80, v15, vm0, $0xb8;
	[tilespmem:$0x18480] =	vst v63  }
0x18f: {  	s19 =	simm.s32 $0x13480  }
0x190: {  	[hbm4b:s10+s4] =	stream.indirect_vreg.scatter [tilespmem:s19], [sflag:$0x6], $0x80, v15, vm0, $0xb8;
	[tilespmem:$0x18480] =	vst v63  }
0x191: {  	s19 =	simm.s32 $0x13C80  }
0x192: {  	[hbm4b:s11+s4] =	stream.indirect_vreg.scatter [tilespmem:s19], [sflag:$0x6], $0x80, v15, vm0, $0xb8;
	[tilespmem:$0x18480] =	vst v63  }
0x193: {  	v15 =	vld [tilespmem:$0x210];
	_ =	sdelay $0x4  }
0x194: {  	v60 =	vshll.u32 v15, $0x3  }
0x195: {  	v15 =	vand.u32 $0x7, v15;
	v16 =	vand.u32 $0xFFFFFFC0, v60  }
0x196: {  	v15 =	vor.u32 v15, v16  }
0x197: {  	v16 =	vperm.xlane v15, v12;
	_ =	sdelay $0x1  }
0x198: {  	v16 =	vadd.s32 v13, v16;
	_ =	sdelay $0x4  }
0x199: {  	[hbm4b:s2+s4] =	stream.indirect_vreg.scatter [tilespmem:s23], [sflag:$0x6], $0x80, v16, vm0, $0xb8;
	[tilespmem:$0x18480] =	vst v63  }
0x19a: {  	v15 =	vperm.xlane v15, v14  }
0x19b: {  	[hbm4b:s9+s4] =	stream.indirect_vreg.scatter [tilespmem:s24], [sflag:$0x6], $0x80, v16, vm0, $0xb8;
	[tilespmem:$0x18480] =	vst v63  }
0x19c: {  	v15 =	vadd.s32 v13, v15  }
0x19d: {  	[hbm4b:s10+s4] =	stream.indirect_vreg.scatter [tilespmem:s25], [sflag:$0x6], $0x80, v16, vm0, $0xb8;
	[tilespmem:$0x18480] =	vst v63  }
0x19e: {  	_ = 	snop  }
0x19f: {  	[hbm4b:s11+s4] =	stream.indirect_vreg.scatter [tilespmem:s26], [sflag:$0x6], $0x80, v16, vm0, $0xb8;
	[tilespmem:$0x18480] =	vst v63  }
0x1a0: {  	_ = 	snop  }
0x1a1: {  	[hbm4b:s2+s4] =	stream.indirect_vreg.scatter [tilespmem:s29], [sflag:$0x6], $0x80, v15, vm0, $0xb8;
	[tilespmem:$0x18480] =	vst v63  }
0x1a2: {  	_ = 	snop  }
0x1a3: {  	[hbm4b:s9+s4] =	stream.indirect_vreg.scatter [tilespmem:s16], [sflag:$0x6], $0x80, v15, vm0, $0xb8;
	[tilespmem:$0x18480] =	vst v63  }
0x1a4: {  	_ = 	snop  }
0x1a5: {  	[hbm4b:s10+s4] =	stream.indirect_vreg.scatter [tilespmem:s30], [sflag:$0x6], $0x80, v15, vm0, $0xb8;
	[tilespmem:$0x18480] =	vst v63  }
0x1a6: {  	_ = 	snop  }
0x1a7: {  	[hbm4b:s11+s4] =	stream.indirect_vreg.scatter [tilespmem:s31], [sflag:$0x6], $0x80, v15, vm0, $0xb8;
	[tilespmem:$0x18480] =	vst v63  }
0x1a8: {  	_ =	swait.ge [sflag:s3], $0x8000  }
0x1a9: {  	[sflag:s3] =	ssyncset.done $0x0  }
0x1aa: {  	s25 =	rddreg [dreg:$0xc];
	[sflag:s3] =	ssyncadd.s32 $0xFFFF8000  }
0x1ab: {  	[tilespmem:s12], [sflag:$0x2] =	stream.linear.gather [hbm4b:s25+s4], $0x8000, $0x38;
	[tilespmem:$0x18480] =	vst v63  }
0x1ac: {  	_ =	swait.ge [sflag:s14], $0x8000  }
0x1ad: {  	[sflag:s14] =	ssyncset.done $0x0  }
0x1ae: {  	s29 =	rddreg [dreg:$0xd];
	[sflag:s14] =	ssyncadd.s32 $0xFFFF8000  }
0x1af: {  	[hbm4b:s29+s4] =	stream.linear.scatter [tilespmem:s1], [sflag:$0x4], $0x8000, $0x38;
	[tilespmem:$0x18480] =	vst v63  }
0x1b0: {  	_ =	swait.ge [sflag:s5], $0x8000  }
0x1b1: {  	[sflag:s5] =	ssyncset.done $0x0  }
0x1b2: {  	s30 =	rddreg [dreg:$0xe];
	[sflag:s5] =	ssyncadd.s32 $0xFFFF8000  }
0x1b3: {  	[tilespmem:s0], [sflag:$0x3] =	stream.linear.gather [hbm4b:s30+s4], $0x4000, $0x38;
	[tilespmem:$0x18480] =	vst v63  }
0x1b4: {  	_ =	swait.ge [sflag:s13], $0x8000  }
0x1b5: {  	[sflag:s13] =	ssyncset.done $0x0  }
0x1b6: {  	[sflag:s13] =	ssyncadd.s32 $0xFFFF8000  }
0x1b7: {  	v15 =	vld [tilespmem:$0x400];
	_ =	sdelay $0x4  }
0x1b8: {  	v61 =	vshll.u32 v15, $0x3  }
0x1b9: {  	v15 =	vand.u32 $0x7, v15;
	v16 =	vand.u32 $0xFFFFFFC0, v61  }
0x1ba: {  	v15 =	vor.u32 v15, v16  }
0x1bb: {  	v16 =	vperm.xlane v15, v12;
	_ =	sdelay $0x1  }
0x1bc: {  	v16 =	vadd.s32 v13, v16;
	_ =	sdelay $0x3  }
0x1bd: {  	s26 =	simm.s32 $0x8480  }
0x1be: {  	[hbm4b:s2+s4] =	stream.indirect_vreg.scatter [tilespmem:s26], [sflag:$0x5], $0x80, v16, vm0, $0xb8;
	[tilespmem:$0x18480] =	vst v63  }
0x1bf: {  	s0 =	simm.s32 $0x8C80;
	v15 =	vperm.xlane v15, v14  }
0x1c0: {  	[hbm4b:s9+s4] =	stream.indirect_vreg.scatter [tilespmem:s0], [sflag:$0x5], $0x80, v16, vm0, $0xb8;
	[tilespmem:$0x18480] =	vst v63  }
0x1c1: {  	s1 =	simm.s32 $0x9480;
	v15 =	vadd.s32 v13, v15  }
0x1c2: {  	[hbm4b:s10+s4] =	stream.indirect_vreg.scatter [tilespmem:s1], [sflag:$0x5], $0x80, v16, vm0, $0xb8;
	[tilespmem:$0x18480] =	vst v63  }
0x1c3: {  	_ = 	snop  }
0x1c4: {  	[hbm4b:s11+s4] =	stream.indirect_vreg.scatter [tilespmem:s15], [sflag:$0x5], $0x80, v16, vm0, $0xb8;
	[tilespmem:$0x18480] =	vst v63  }
0x1c5: {  	_ = 	snop  }
0x1c6: {  	[hbm4b:s2+s4] =	stream.indirect_vreg.scatter [tilespmem:s17], [sflag:$0x5], $0x80, v15, vm0, $0xb8;
	[tilespmem:$0x18480] =	vst v63  }
0x1c7: {  	_ = 	snop  }
0x1c8: {  	[hbm4b:s9+s4] =	stream.indirect_vreg.scatter [tilespmem:s18], [sflag:$0x5], $0x80, v15, vm0, $0xb8;
	[tilespmem:$0x18480] =	vst v63  }
0x1c9: {  	s12 =	simm.s32 $0xB480  }
0x1ca: {  	[hbm4b:s10+s4] =	stream.indirect_vreg.scatter [tilespmem:s12], [sflag:$0x5], $0x80, v15, vm0, $0xb8;
	[tilespmem:$0x18480] =	vst v63  }
0x1cb: {  	s15 =	simm.s32 $0xBC80  }
0x1cc: {  	[hbm4b:s11+s4] =	stream.indirect_vreg.scatter [tilespmem:s15], [sflag:$0x5], $0x80, v15, vm0, $0xb8;
	[tilespmem:$0x18480] =	vst v63  }
0x1cd: {  	v15 =	vld [tilespmem:$0x410];
	_ =	sdelay $0x4  }
0x1ce: {  	v62 =	vshll.u32 v15, $0x3  }
0x1cf: {  	v15 =	vand.u32 $0x7, v15;
	v16 =	vand.u32 $0xFFFFFFC0, v62  }
0x1d0: {  	v15 =	vor.u32 v15, v16  }
0x1d1: {  	v16 =	vperm.xlane v15, v12;
	_ =	sdelay $0x1  }
0x1d2: {  	v16 =	vadd.s32 v13, v16;
	_ =	sdelay $0x3  }
0x1d3: {  	s16 =	simm.s32 $0xC480  }
0x1d4: {  	[hbm4b:s2+s4] =	stream.indirect_vreg.scatter [tilespmem:s16], [sflag:$0x5], $0x80, v16, vm0, $0xb8;
	[tilespmem:$0x18480] =	vst v63  }
0x1d5: {  	s17 =	simm.s32 $0xCC80;
	v15 =	vperm.xlane v15, v14  }
0x1d6: {  	[hbm4b:s9+s4] =	stream.indirect_vreg.scatter [tilespmem:s17], [sflag:$0x5], $0x80, v16, vm0, $0xb8;
	[tilespmem:$0x18480] =	vst v63  }
0x1d7: {  	v15 =	vadd.s32 v13, v15  }
0x1d8: {  	[hbm4b:s10+s4] =	stream.indirect_vreg.scatter [tilespmem:s21], [sflag:$0x5], $0x80, v16, vm0, $0xb8;
	[tilespmem:$0x18480] =	vst v63  }
0x1d9: {  	_ = 	snop  }
0x1da: {  	[hbm4b:s11+s4] =	stream.indirect_vreg.scatter [tilespmem:s22], [sflag:$0x5], $0x80, v16, vm0, $0xb8;
	[tilespmem:$0x18480] =	vst v63  }
0x1db: {  	s18 =	simm.s32 $0xE480  }
0x1dc: {  	[hbm4b:s2+s4] =	stream.indirect_vreg.scatter [tilespmem:s18], [sflag:$0x5], $0x80, v15, vm0, $0xb8;
	[tilespmem:$0x18480] =	vst v63  }
0x1dd: {  	s19 =	simm.s32 $0xEC80  }
0x1de: {  	[hbm4b:s9+s4] =	stream.indirect_vreg.scatter [tilespmem:s19], [sflag:$0x5], $0x80, v15, vm0, $0xb8;
	[tilespmem:$0x18480] =	vst v63  }
0x1df: {  	s21 =	simm.s32 $0xF480  }
0x1e0: {  	[hbm4b:s10+s4] =	stream.indirect_vreg.scatter [tilespmem:s21], [sflag:$0x5], $0x80, v15, vm0, $0xb8;
	[tilespmem:$0x18480] =	vst v63  }
0x1e1: {  	s22 =	simm.s32 $0xFC80  }
0x1e2: {  	[hbm4b:s11+s4] =	stream.indirect_vreg.scatter [tilespmem:s22], [sflag:$0x5], $0x80, v15, vm0, $0xb8;
	[tilespmem:$0x18480] =	vst v63  }
0x1e3: {  	_ =	swait.ge [sflag:s28], $0x4000  }
0x1e4: {  	[sflag:s28] =	ssyncset.done $0x0  }
0x1e5: {  	[sflag:s28] =	ssyncadd.s32 $0xFFFFC000  }
0x1e6: {  	v15 =	vld [tilespmem:$0x300];
	_ =	sdelay $0x4  }
0x1e7: {  	v63 =	vshll.u32 v15, $0x3  }
0x1e8: {  	v15 =	vand.u32 $0x7, v15;
	v16 =	vand.u32 $0xFFFFFFC0, v63  }
0x1e9: {  	v15 =	vor.u32 v15, v16  }
0x1ea: {  	v16 =	vperm.xlane v15, v12;
	_ =	sdelay $0x1  }
0x1eb: {  	v16 =	vadd.s32 v13, v16;
	_ =	sdelay $0x3  }
0x1ec: {  	s31 =	simm.s32 $0x10480  }
0x1ed: {  	[hbm4b:s2+s4] =	stream.indirect_vreg.scatter [tilespmem:s31], [sflag:$0x6], $0x80, v16, vm0, $0xb8;
	[tilespmem:$0x18480] =	vst v63  }
0x1ee: {  	s23 =	simm.s32 $0x10C80;
	v15 =	vperm.xlane v15, v14  }
0x1ef: {  	[hbm4b:s9+s4] =	stream.indirect_vreg.scatter [tilespmem:s23], [sflag:$0x6], $0x80, v16, vm0, $0xb8;
	[tilespmem:$0x18480] =	vst v63  }
0x1f0: {  	s24 =	simm.s32 $0x11480;
	v15 =	vadd.s32 v13, v15  }
0x1f1: {  	[hbm4b:s10+s4] =	stream.indirect_vreg.scatter [tilespmem:s24], [sflag:$0x6], $0x80, v16, vm0, $0xb8;
	[tilespmem:$0x18480] =	vst v63  }
0x1f2: {  	s25 =	simm.s32 $0x11C80  }
0x1f3: {  	[hbm4b:s11+s4] =	stream.indirect_vreg.scatter [tilespmem:s25], [sflag:$0x6], $0x80, v16, vm0, $0xb8;
	[tilespmem:$0x18480] =	vst v63  }
0x1f4: {  	s26 =	simm.s32 $0x12480  }
0x1f5: {  	[hbm4b:s2+s4] =	stream.indirect_vreg.scatter [tilespmem:s26], [sflag:$0x6], $0x80, v15, vm0, $0xb8;
	[tilespmem:$0x18480] =	vst v63  }
0x1f6: {  	s28 =	simm.s32 $0x12C80  }
0x1f7: {  	[hbm4b:s9+s4] =	stream.indirect_vreg.scatter [tilespmem:s28], [sflag:$0x6], $0x80, v15, vm0, $0xb8;
	[tilespmem:$0x18480] =	vst v63  }
0x1f8: {  	s29 =	simm.s32 $0x13480  }
0x1f9: {  	[hbm4b:s10+s4] =	stream.indirect_vreg.scatter [tilespmem:s29], [sflag:$0x6], $0x80, v15, vm0, $0xb8;
	[tilespmem:$0x18480] =	vst v63  }
0x1fa: {  	s30 =	simm.s32 $0x13C80  }
0x1fb: {  	[hbm4b:s11+s4] =	stream.indirect_vreg.scatter [tilespmem:s30], [sflag:$0x6], $0x80, v15, vm0, $0xb8;
	[tilespmem:$0x18480] =	vst v63  }
0x1fc: {  	_ =	swait.ge [sflag:s20], $0x8000  }
0x1fd: {  	[sflag:s20] =	ssyncset.done $0x0  }
0x1fe: {  	s31 =	rddreg [dreg:$0x12];
	[sflag:s20] =	ssyncadd.s32 $0xFFFF8000  }
0x1ff: {  	p0 =	sne.s32 s31, $0x1;
	_ =	swait.ge [sflag:s3], $0x8000  }
.Ltmp0:
0x200: {  	[sflag:s3] =	ssyncset.done $0x0;
	(pc) =	sbr.rel @p0 .LBB2_1-.Ltmp0, $4  }
0x201: {  	[sflag:s3] =	ssyncadd.s32 $0xFFFF8000  }
0x202: {  	_ =	swait.ge [sflag:s5], $0x4000  }
0x203: {  	[sflag:s5] =	ssyncset.done $0x0  }
0x204: {  	s1 =	sadd.s32 $0xFFFFFFFF, s31;
	[sflag:s5] =	ssyncadd.s32 $0xFFFFC000  }
0x205: {  	_ =	sfence.sel $0x180000  }
0x206: {  	[bflag:$0x0] =	sbarrier.arrive $0xFFFF  }
0x207: {  	_ =	strace $0x90000047  }
0x208: {  	s0 =	stileid.u32;
	[bflag:$0x2] =	sbarrier.arrive $0xFFFF  }
0x209: {  	p0 =	sne.s32 s0, $0x0;
	s0 =	rddreg [dreg:$0x6]  }
0x20a: {  	s0 =	sadd.s32 @!p0 $0x100000, s0  }
0x20b: {  	[sflag:s0] =	ssyncadd.tile.s32 @!p0 $0x1;
	_ =	shalt  }
.Lfunc_end2:
_tile_overlayer_lowered:
.L_overlay_start_2:
0x20c: {  	(tag) =	ssettag $0x2  }
0x20d: {  	s0 =	rddreg [dreg:$0x0];
	s2 =	stileid.u32  }
0x20e: {  	s1 =	rddreg [dreg:$0x1];
	p0 =	sne.s32 s2, $0x0  }
0x20f: {  	s3 =	rddreg [dreg:$0x2];
	[bflag:$0x3] =	sbarrier.arrive $0xFFFF;
	s2 =	simm.s32 @!p0 $0x1C08  }
0x210: {  	[timem:s3], [sflag:s2] =	dma.local @!p0 [hbm:s0], s1  }
0x211: {  	s0 =	simm.s32 @!p0 $0x8  }
0x212: {  	_ =	swait.ge @!p0 [sflag:s0], s1  }
0x213: {  	s1 =	ssub.s32 @!p0 $0x0, s1;
	[sflag:s0] =	ssyncset.done @!p0 $0x0  }
0x214: {  	[sflag:s0] =	ssyncadd.s32 @!p0 s1  }
0x215: {  	[bflag:$0x3] =	sbarrier.arrive $0xFFFF  }
0x216: {  	_ =	shalt  }

</sc_bundles>
